<compile_context>
chip_gen: v7x
topology: tpu7x:2x2x1
jax: 0.10.2.dev20260603
libtpu: 0.0.44.dev20260713+nightly
codegen_flags: <defaults>
</compile_context>

<pallas_src>
import functools

import jax
import jax.numpy as jnp
from jax import lax
from jax.experimental import pallas as pl
from jax.experimental.pallas import tpu as pltpu
from jax.experimental.pallas import tpu_sc as plsc

_NUM_OMEGA = 1000
_NUM_SIGMA = 32
_N = 65536
_TOL = 1e-7

_NC = 2
_NS = 16
_L = 16
_NW = _NC * _NS
_CHUNK = _N // _NW
_NVEC = _CHUNK // _L

_P_COEF = (1.0, -0.1666666716337204, 0.008333330973982811,
           -0.00019840861205011606, 2.752528644123231e-06,
           -2.3889498379503493e-08)
_C_COEF = (1.0, -0.5, 0.0416666679084301, -0.0013888884568586946,
           2.4801040126476437e-05, -2.75246833325582e-07,
           1.990768216941774e-09)

_mesh = plsc.VectorSubcoreMesh(core_axis_name="c", subcore_axis_name="s")


def _horner(coef, t):
    acc = jnp.full((_L,), coef[-1], jnp.float32)
    for c in coef[-2::-1]:
        acc = acc * t + c
    return acc


def _rsqrt(n2):
    i = plsc.bitcast(n2, jnp.int32)
    g = plsc.bitcast(jnp.int32(0x5F3759DF) - (i >> 1), jnp.float32)
    for _ in range(2):
        g = g * (1.5 - 0.5 * n2 * g * g)
    return g


@functools.partial(
    pl.kernel,
    out_type=jax.ShapeDtypeStruct((9, _N), jnp.float32),
    mesh=_mesh,
    compiler_params=pltpu.CompilerParams(needs_layout_passes=False),
    scratch_types=[
        pltpu.VMEM((_NUM_OMEGA * 33,), jnp.float32),
        pltpu.VMEM((_NUM_OMEGA,), jnp.float32),
        pltpu.VMEM((_CHUNK,), jnp.int32),
        pltpu.VMEM((_CHUNK,), jnp.float32),
        pltpu.VMEM((3, _CHUNK), jnp.float32),
        pltpu.VMEM((9, _CHUNK), jnp.float32),
        pltpu.SemaphoreType.DMA,
    ],
)
def _sc_fused(sig_hbm, u_hbm, ax_hbm, cdf_hbm, og_hbm, out_hbm,
              cdf_v, og_v, sig_v, u_v, ax_v, out_v, sem):
    wid = lax.axis_index("s") * _NC + lax.axis_index("c")
    base = wid * _CHUNK
    copies = [
        pltpu.async_copy(cdf_hbm, cdf_v, sem),
        pltpu.async_copy(og_hbm, og_v, sem),
        pltpu.async_copy(sig_hbm.at[pl.ds(base, _CHUNK)], sig_v, sem),
        pltpu.async_copy(u_hbm.at[pl.ds(base, _CHUNK)], u_v, sem),
        pltpu.async_copy(ax_hbm.at[:, pl.ds(base, _CHUNK)], ax_v, sem),
    ]
    for c in copies:
        c.wait()

    def body(i):
        off = pl.multiple_of(i * _L, _L)
        s = sig_v[pl.ds(off, _L)]
        uu = u_v[pl.ds(off, _L)]
        pos = jnp.zeros((_L,), jnp.int32)
        for step in (512, 256, 128, 64, 32):
            cand = pos + step
            val = plsc.load_gather(cdf_v, [cand * 33 + s])
            pos = jnp.where(val < uu, cand, pos)
        for step in (16, 8, 4, 2, 1):
            cand = pos + step
            candc = jnp.minimum(cand, _NUM_OMEGA - 1)
            val = plsc.load_gather(cdf_v, [candc * 33 + s])
            take = jnp.logical_and(cand <= _NUM_OMEGA - 1, val < uu)
            pos = jnp.where(take, cand, pos)
        idx = pos + 1
        c_lo = plsc.load_gather(cdf_v, [pos * 33 + s])
        c_hi = plsc.load_gather(cdf_v, [idx * 33 + s])
        o_lo = plsc.load_gather(og_v, [pos])
        o_hi = plsc.load_gather(og_v, [idx])
        denom = jnp.maximum(c_hi - c_lo, 1e-10)
        om = o_lo + (uu - c_lo) * (o_hi - o_lo) / denom

        x = ax_v[0, pl.ds(off, _L)]
        y = ax_v[1, pl.ds(off, _L)]
        z = ax_v[2, pl.ds(off, _L)]
        n2 = x * x + y * y + z * z
        g = _rsqrt(jnp.maximum(n2, 1e-30))
        nrm = n2 * g
        scale = om / (nrm + _TOL)
        rx = x * scale
        ry = y * scale
        rz = z * scale
        t = (rx * rx + ry * ry + rz * rz) * 0.25
        pv = _horner(_P_COEF, t)
        cv = _horner(_C_COEF, t)
        sin_c = pv * cv
        cos_c = 0.5 * (pv * pv)
        xx = rx * rx
        yy = ry * ry
        zz = rz * rz
        xy = rx * ry
        xz = rx * rz
        yz = ry * rz
        vals = (1.0 - cos_c * (yy + zz), cos_c * xy - sin_c * rz,
                cos_c * xz + sin_c * ry, cos_c * xy + sin_c * rz,
                1.0 - cos_c * (xx + zz), cos_c * yz - sin_c * rx,
                cos_c * xz - sin_c * ry, cos_c * yz + sin_c * rx,
                1.0 - cos_c * (xx + yy))
        for k, v in enumerate(vals):
            out_v[k, pl.ds(off, _L)] = v

    plsc.parallel_loop(0, _NVEC, unroll=8)(body)
    pltpu.sync_copy(out_v, out_hbm.at[:, pl.ds(base, _CHUNK)])


def kernel(sigma_indices, u, axis, cdf, omega_grid):
    out9 = _sc_fused(sigma_indices.astype(jnp.int32),
                     u.astype(jnp.float32),
                     axis.astype(jnp.float32).T,
                     jnp.pad(cdf.astype(jnp.float32).T,
                             ((0, 0), (0, 33 - _NUM_SIGMA))).reshape(-1),
                     omega_grid.astype(jnp.float32))
    return out9.T.reshape(_N, 3, 3)

# --- scband reference (transcript-rebuilt; emitter-appended) ---
"""Pipeline reference for scband-base-sample-so3-43808666419931 (READ-ONLY COPY).

The authoritative reference and input builder live on the scoring server;
editing this copy changes nothing except your own understanding.
"""

import jax, jax.numpy as jnp
import numpy as np

NUM_OMEGA = 1000
NUM_SIGMA = 32
OMEGA_EXPONENT = 3
N = 65536
TOL = 1e-7


def _build_tables():
    # omega grid: pi * t**exponent gives finer resolution at small angles
    t = jnp.linspace(0.0, 1.0, NUM_OMEGA + 1)[1:]
    omega_grid = jnp.pi * t ** OMEGA_EXPONENT
    sigma_grid = 0.05 * jnp.arange(1, NUM_SIGMA + 1, dtype=jnp.float32)
    # IGSO(3)-style pdf over angles (uniform-measure factor (1-cos w)/pi times gaussian-like kernel)
    pdf = (1.0 - jnp.cos(omega_grid)[None, :]) / jnp.pi * jnp.exp(
        -omega_grid[None, :] ** 2 / (2.0 * sigma_grid[:, None] ** 2)
    )
    # trapezoid cumulative integration (integrate_trapezoid_cumulative)
    f_sum = pdf[..., :-1] + pdf[..., 1:]
    delta = jnp.diff(omega_grid)
    integral = jnp.cumsum(f_sum * delta[None, :] / 2.0, axis=-1)
    cdf = jnp.concatenate([jnp.zeros((NUM_SIGMA, 1), dtype=integral.dtype), integral], axis=-1)
    cdf = cdf / cdf[:, -1:]
    return omega_grid.astype(jnp.float32), cdf.astype(jnp.float32)


def _vector_to_skew(v):
    zeros = jnp.zeros_like(v[..., 0])
    row0 = jnp.stack([zeros, -v[..., 2], v[..., 1]], axis=-1)
    row1 = jnp.stack([v[..., 2], zeros, -v[..., 0]], axis=-1)
    row2 = jnp.stack([-v[..., 1], v[..., 0], zeros], axis=-1)
    return jnp.stack([row0, row1, row2], axis=-2)


def _rotvec_to_rotmat(rv, tol=1e-7):
    angles = jnp.linalg.norm(rv, axis=-1)
    K = _vector_to_skew(rv)
    a = angles[..., None, None]
    mask = jnp.abs(a) < tol
    a_safe = jnp.where(mask, 1.0, a)
    a2 = a_safe * a_safe
    sin_c = jnp.where(mask, 1.0 - a * a / 6.0, jnp.sin(a_safe) / a_safe)
    cos_c = jnp.where(mask, 0.5 - a * a / 24.0, (1.0 - jnp.cos(a_safe)) / a2)
    id3 = jnp.broadcast_to(jnp.eye(3, dtype=rv.dtype), K.shape)
    KK = jnp.einsum('...ik,...kj->...ij', K, K)
    return id3 + sin_c * K + cos_c * KK


def setup_inputs(seed: int = 0) -> dict:
    key = jax.random.key(seed)
    k1, k2, k3 = jax.random.split(key, 3)
    sigma_indices = jax.random.randint(k1, (N,), 0, NUM_SIGMA)
    u = jax.random.uniform(k2, (N,), dtype=jnp.float32, minval=1e-4, maxval=1.0 - 1e-4)
    axis = jax.random.normal(k3, (N, 3), dtype=jnp.float32)
    omega_grid, cdf = _build_tables()
    return {
        'sigma_indices': sigma_indices,
        'u': u,
        'axis': axis,
        'cdf': cdf,
        'omega_grid': omega_grid,
    }


def reference(sigma_indices, u, axis, cdf, omega_grid):
    # gather per-sample CDF rows (memory-bound gather)
    rows = cdf[sigma_indices]  # [N, NUM_OMEGA]
    # inverse transform sampling via searchsorted
    idx = jax.vmap(jnp.searchsorted)(rows, u)
    idx = jnp.clip(idx, 1, NUM_OMEGA - 1)
    lo = idx - 1
    c_lo = jnp.take_along_axis(rows, lo[:, None], axis=-1)[:, 0]
    c_hi = jnp.take_along_axis(rows, idx[:, None], axis=-1)[:, 0]
    o_lo = omega_grid[lo]
    o_hi = omega_grid[idx]
    denom = jnp.maximum(c_hi - c_lo, 1e-10)
    omega_s = o_lo + (u - c_lo) * (o_hi - o_lo) / denom  # linear interpolation
    # uniform random axis from normalized gaussian
    axis_unit = axis / (jnp.linalg.norm(axis, axis=-1, keepdims=True) + TOL)
    rotvec = omega_s[:, None] * axis_unit
    return _rotvec_to_rotmat(rotvec, TOL)

if __name__ == "__main__":
    import jax
    _d = setup_inputs()
    print(jax.jit(kernel)(*tuple(_d.values())))

</pallas_src>

<mosaic_0001>
#map = affine_map<(d0, d1) -> (0)>
#map1 = affine_map<(d0, d1) -> (0, 0)>
module attributes {stable_mosaic.version = 14 : i64} {
  func.func @_sc_fused(%arg0: i32, %arg1: i32, %arg2: memref<65536xi32, #tpu.memory_space<hbm>>, %arg3: memref<65536xf32, #tpu.memory_space<hbm>>, %arg4: memref<3x65536xf32, #tpu.memory_space<hbm>>, %arg5: memref<33000xf32, #tpu.memory_space<hbm>>, %arg6: memref<1000xf32, #tpu.memory_space<hbm>>, %arg7: memref<9x65536xf32, #tpu.memory_space<hbm>>, %arg8: memref<33000xf32, #tpu.memory_space<vmem>>, %arg9: memref<1000xf32, #tpu.memory_space<vmem>>, %arg10: memref<2048xi32, #tpu.memory_space<vmem>>, %arg11: memref<2048xf32, #tpu.memory_space<vmem>>, %arg12: memref<3x2048xf32, #tpu.memory_space<vmem>>, %arg13: memref<9x2048xf32, #tpu.memory_space<vmem>>, %arg14: memref<!tpu.dma_semaphore, #tpu.memory_space<semaphore_mem>>) attributes {dimension_semantics = [#tpu.dimension_semantics<core_parallel>, #tpu.dimension_semantics<subcore_parallel>], iteration_bounds = array<i64: 2, 16>, scalar_prefetch = 0 : i64, scratch_operands = 7 : i64, tpu.core_type = #tpu.core_type<sc_vector_subcore>, window_params = [{transform_indices = #map}, {transform_indices = #map}, {transform_indices = #map1}, {transform_indices = #map}, {transform_indices = #map}, {transform_indices = #map1}]} {
    %mul3A = arith.constant 2 : i32
    %mul3A_0 = arith.muli %arg1, %mul3A : i32
    %add3A = arith.addi %mul3A_0, %arg0 : i32
    %mul3A_1 = arith.constant 2048 : i32
    %mul3A_2 = arith.muli %add3A, %mul3A_1 : i32
    tpu.enqueue_dma source(%arg5 : memref<33000xf32, #tpu.memory_space<hbm>>) target(%arg8 : memref<33000xf32, #tpu.memory_space<vmem>>) target_semaphore(%arg14 : memref<!tpu.dma_semaphore, #tpu.memory_space<semaphore_mem>>)
    tpu.enqueue_dma source(%arg6 : memref<1000xf32, #tpu.memory_space<hbm>>) target(%arg9 : memref<1000xf32, #tpu.memory_space<vmem>>) target_semaphore(%arg14 : memref<!tpu.dma_semaphore, #tpu.memory_space<semaphore_mem>>)
    %dma_start3A = tpu.memref_slice %arg2[%mul3A_2] : memref<65536xi32, #tpu.memory_space<hbm>> -> memref<2048xi32, #tpu.memory_space<hbm>>
    %dma_start3A_3 = tpu.memref_slice %arg2[%mul3A_2] : memref<65536xi32, #tpu.memory_space<hbm>> -> memref<2048xi32, #tpu.memory_space<hbm>>
    tpu.enqueue_dma source(%dma_start3A_3 : memref<2048xi32, #tpu.memory_space<hbm>>) target(%arg10 : memref<2048xi32, #tpu.memory_space<vmem>>) target_semaphore(%arg14 : memref<!tpu.dma_semaphore, #tpu.memory_space<semaphore_mem>>)
    %dma_start3A_4 = tpu.memref_slice %arg3[%mul3A_2] : memref<65536xf32, #tpu.memory_space<hbm>> -> memref<2048xf32, #tpu.memory_space<hbm>>
    %dma_start3A_5 = tpu.memref_slice %arg3[%mul3A_2] : memref<65536xf32, #tpu.memory_space<hbm>> -> memref<2048xf32, #tpu.memory_space<hbm>>
    tpu.enqueue_dma source(%dma_start3A_5 : memref<2048xf32, #tpu.memory_space<hbm>>) target(%arg11 : memref<2048xf32, #tpu.memory_space<vmem>>) target_semaphore(%arg14 : memref<!tpu.dma_semaphore, #tpu.memory_space<semaphore_mem>>)
    %dma_start3A_6 = arith.constant 0 : i32
    %dma_start3A_7 = tpu.memref_slice %arg4[%dma_start3A_6, %mul3A_2] : memref<3x65536xf32, #tpu.memory_space<hbm>> -> memref<3x2048xf32, #tpu.memory_space<hbm>>
    %dma_start3A_8 = arith.constant 0 : i32
    %dma_start3A_9 = tpu.memref_slice %arg4[%dma_start3A_8, %mul3A_2] : memref<3x65536xf32, #tpu.memory_space<hbm>> -> memref<3x2048xf32, #tpu.memory_space<hbm>>
    tpu.enqueue_dma source(%dma_start3A_9 : memref<3x2048xf32, #tpu.memory_space<hbm>>) target(%arg12 : memref<3x2048xf32, #tpu.memory_space<vmem>>) target_semaphore(%arg14 : memref<!tpu.dma_semaphore, #tpu.memory_space<semaphore_mem>>)
    tpu.wait_dma2 semaphore(%arg14 : memref<!tpu.dma_semaphore, #tpu.memory_space<semaphore_mem>>) src(%arg5 : memref<33000xf32, #tpu.memory_space<hbm>>) dst(%arg8 : memref<33000xf32, #tpu.memory_space<vmem>>)
    tpu.wait_dma2 semaphore(%arg14 : memref<!tpu.dma_semaphore, #tpu.memory_space<semaphore_mem>>) src(%arg6 : memref<1000xf32, #tpu.memory_space<hbm>>) dst(%arg9 : memref<1000xf32, #tpu.memory_space<vmem>>)
    %dma_wait3A = tpu.memref_slice %arg2[%mul3A_2] : memref<65536xi32, #tpu.memory_space<hbm>> -> memref<2048xi32, #tpu.memory_space<hbm>>
    %dma_wait3A_10 = tpu.memref_slice %arg2[%mul3A_2] : memref<65536xi32, #tpu.memory_space<hbm>> -> memref<2048xi32, #tpu.memory_space<hbm>>
    tpu.wait_dma2 semaphore(%arg14 : memref<!tpu.dma_semaphore, #tpu.memory_space<semaphore_mem>>) src(%dma_wait3A_10 : memref<2048xi32, #tpu.memory_space<hbm>>) dst(%arg10 : memref<2048xi32, #tpu.memory_space<vmem>>)
    %dma_wait3A_11 = tpu.memref_slice %arg3[%mul3A_2] : memref<65536xf32, #tpu.memory_space<hbm>> -> memref<2048xf32, #tpu.memory_space<hbm>>
    %dma_wait3A_12 = tpu.memref_slice %arg3[%mul3A_2] : memref<65536xf32, #tpu.memory_space<hbm>> -> memref<2048xf32, #tpu.memory_space<hbm>>
    tpu.wait_dma2 semaphore(%arg14 : memref<!tpu.dma_semaphore, #tpu.memory_space<semaphore_mem>>) src(%dma_wait3A_12 : memref<2048xf32, #tpu.memory_space<hbm>>) dst(%arg11 : memref<2048xf32, #tpu.memory_space<vmem>>)
    %dma_wait3A_13 = arith.constant 0 : i32
    %dma_wait3A_14 = tpu.memref_slice %arg4[%dma_wait3A_13, %mul3A_2] : memref<3x65536xf32, #tpu.memory_space<hbm>> -> memref<3x2048xf32, #tpu.memory_space<hbm>>
    %dma_wait3A_15 = arith.constant 0 : i32
    %dma_wait3A_16 = tpu.memref_slice %arg4[%dma_wait3A_15, %mul3A_2] : memref<3x65536xf32, #tpu.memory_space<hbm>> -> memref<3x2048xf32, #tpu.memory_space<hbm>>
    tpu.wait_dma2 semaphore(%arg14 : memref<!tpu.dma_semaphore, #tpu.memory_space<semaphore_mem>>) src(%dma_wait3A_16 : memref<3x2048xf32, #tpu.memory_space<hbm>>) dst(%arg12 : memref<3x2048xf32, #tpu.memory_space<vmem>>)
    %parallel_loop3A = arith.constant 0 : i32
    %parallel_loop3A_17 = arith.constant 128 : i32
    %parallel_loop3A_18 = arith.constant 1 : i32
    scf.for %parallel_loop3A_19 = %parallel_loop3A to %parallel_loop3A_17 step %parallel_loop3A_18  : i32 {
      %parallel_loop3A_20 = arith.constant 16 : i32
      %parallel_loop3A_21 = arith.muli %parallel_loop3A_19, %parallel_loop3A_20 : i32
      %parallel_loop3A_22 = tpu.assume_multiple %parallel_loop3A_21, 16 : i32
      %parallel_loop3A_23 = arith.index_cast %parallel_loop3A_22 : i32 to index
      %parallel_loop3A_24 = tpu.vector_load %arg10[%parallel_loop3A_23] {strides = array<i32>} : memref<2048xi32, #tpu.memory_space<vmem>>, vector<16xi32>,
      %parallel_loop3A_25 = arith.index_cast %parallel_loop3A_22 : i32 to index
      %parallel_loop3A_26 = tpu.vector_load %arg11[%parallel_loop3A_25] {strides = array<i32>} : memref<2048xf32, #tpu.memory_space<vmem>>, vector<16xf32>,
      %parallel_loop3A_27 = arith.constant 0 : i32
      %parallel_loop3A_28 = vector.broadcast %parallel_loop3A_27 : i32 to vector<16xi32>
      %parallel_loop3A_29 = arith.constant 512 : i32
      %parallel_loop3A_30 = vector.broadcast %parallel_loop3A_29 : i32 to vector<16xi32>
      %parallel_loop3A_31 = arith.addi %parallel_loop3A_28, %parallel_loop3A_30 : vector<16xi32>
      %parallel_loop3A_32 = arith.constant 33 : i32
      %parallel_loop3A_33 = vector.broadcast %parallel_loop3A_32 : i32 to vector<16xi32>
      %parallel_loop3A_34 = arith.muli %parallel_loop3A_31, %parallel_loop3A_33 : vector<16xi32>
      %parallel_loop3A_35 = arith.addi %parallel_loop3A_34, %parallel_loop3A_24 : vector<16xi32>
      %parallel_loop3A_36 = tpu.vector_load_idx %arg8[%parallel_loop3A_35] : memref<33000xf32, #tpu.memory_space<vmem>>[vector<16xi32>], vector<16xf32>,
      %parallel_loop3A_37 = arith.cmpf olt, %parallel_loop3A_36, %parallel_loop3A_26 : vector<16xf32>
      %parallel_loop3A_38 = arith.select %parallel_loop3A_37, %parallel_loop3A_31, %parallel_loop3A_28 : vector<16xi1>, vector<16xi32>
      %parallel_loop3A_39 = arith.constant 256 : i32
      %parallel_loop3A_40 = vector.broadcast %parallel_loop3A_39 : i32 to vector<16xi32>
      %parallel_loop3A_41 = arith.addi %parallel_loop3A_38, %parallel_loop3A_40 : vector<16xi32>
      %parallel_loop3A_42 = arith.constant 33 : i32
      %parallel_loop3A_43 = vector.broadcast %parallel_loop3A_42 : i32 to vector<16xi32>
      %parallel_loop3A_44 = arith.muli %parallel_loop3A_41, %parallel_loop3A_43 : vector<16xi32>
      %parallel_loop3A_45 = arith.addi %parallel_loop3A_44, %parallel_loop3A_24 : vector<16xi32>
      %parallel_loop3A_46 = tpu.vector_load_idx %arg8[%parallel_loop3A_45] : memref<33000xf32, #tpu.memory_space<vmem>>[vector<16xi32>], vector<16xf32>,
      %parallel_loop3A_47 = arith.cmpf olt, %parallel_loop3A_46, %parallel_loop3A_26 : vector<16xf32>
      %parallel_loop3A_48 = arith.select %parallel_loop3A_47, %parallel_loop3A_41, %parallel_loop3A_38 : vector<16xi1>, vector<16xi32>
      %parallel_loop3A_49 = arith.constant 128 : i32
      %parallel_loop3A_50 = vector.broadcast %parallel_loop3A_49 : i32 to vector<16xi32>
      %parallel_loop3A_51 = arith.addi %parallel_loop3A_48, %parallel_loop3A_50 : vector<16xi32>
      %parallel_loop3A_52 = arith.constant 33 : i32
      %parallel_loop3A_53 = vector.broadcast %parallel_loop3A_52 : i32 to vector<16xi32>
      %parallel_loop3A_54 = arith.muli %parallel_loop3A_51, %parallel_loop3A_53 : vector<16xi32>
      %parallel_loop3A_55 = arith.addi %parallel_loop3A_54, %parallel_loop3A_24 : vector<16xi32>
      %parallel_loop3A_56 = tpu.vector_load_idx %arg8[%parallel_loop3A_55] : memref<33000xf32, #tpu.memory_space<vmem>>[vector<16xi32>], vector<16xf32>,
      %parallel_loop3A_57 = arith.cmpf olt, %parallel_loop3A_56, %parallel_loop3A_26 : vector<16xf32>
      %parallel_loop3A_58 = arith.select %parallel_loop3A_57, %parallel_loop3A_51, %parallel_loop3A_48 : vector<16xi1>, vector<16xi32>
      %parallel_loop3A_59 = arith.constant 64 : i32
      %parallel_loop3A_60 = vector.broadcast %parallel_loop3A_59 : i32 to vector<16xi32>
      %parallel_loop3A_61 = arith.addi %parallel_loop3A_58, %parallel_loop3A_60 : vector<16xi32>
      %parallel_loop3A_62 = arith.constant 33 : i32
      %parallel_loop3A_63 = vector.broadcast %parallel_loop3A_62 : i32 to vector<16xi32>
      %parallel_loop3A_64 = arith.muli %parallel_loop3A_61, %parallel_loop3A_63 : vector<16xi32>
      %parallel_loop3A_65 = arith.addi %parallel_loop3A_64, %parallel_loop3A_24 : vector<16xi32>
      %parallel_loop3A_66 = tpu.vector_load_idx %arg8[%parallel_loop3A_65] : memref<33000xf32, #tpu.memory_space<vmem>>[vector<16xi32>], vector<16xf32>,
      %parallel_loop3A_67 = arith.cmpf olt, %parallel_loop3A_66, %parallel_loop3A_26 : vector<16xf32>
      %parallel_loop3A_68 = arith.select %parallel_loop3A_67, %parallel_loop3A_61, %parallel_loop3A_58 : vector<16xi1>, vector<16xi32>
      %parallel_loop3A_69 = arith.constant 32 : i32
      %parallel_loop3A_70 = vector.broadcast %parallel_loop3A_69 : i32 to vector<16xi32>
      %parallel_loop3A_71 = arith.addi %parallel_loop3A_68, %parallel_loop3A_70 : vector<16xi32>
      %parallel_loop3A_72 = arith.constant 33 : i32
      %parallel_loop3A_73 = vector.broadcast %parallel_loop3A_72 : i32 to vector<16xi32>
      %parallel_loop3A_74 = arith.muli %parallel_loop3A_71, %parallel_loop3A_73 : vector<16xi32>
      %parallel_loop3A_75 = arith.addi %parallel_loop3A_74, %parallel_loop3A_24 : vector<16xi32>
      %parallel_loop3A_76 = tpu.vector_load_idx %arg8[%parallel_loop3A_75] : memref<33000xf32, #tpu.memory_space<vmem>>[vector<16xi32>], vector<16xf32>,
      %parallel_loop3A_77 = arith.cmpf olt, %parallel_loop3A_76, %parallel_loop3A_26 : vector<16xf32>
      %parallel_loop3A_78 = arith.select %parallel_loop3A_77, %parallel_loop3A_71, %parallel_loop3A_68 : vector<16xi1>, vector<16xi32>
      %parallel_loop3A_79 = arith.constant 16 : i32
      %parallel_loop3A_80 = vector.broadcast %parallel_loop3A_79 : i32 to vector<16xi32>
      %parallel_loop3A_81 = arith.addi %parallel_loop3A_78, %parallel_loop3A_80 : vector<16xi32>
      %parallel_loop3A_82 = arith.constant 999 : i32
      %parallel_loop3A_83 = vector.broadcast %parallel_loop3A_82 : i32 to vector<16xi32>
      %parallel_loop3A_84 = arith.minsi %parallel_loop3A_81, %parallel_loop3A_83 : vector<16xi32>
      %parallel_loop3A_85 = arith.constant 33 : i32
      %parallel_loop3A_86 = vector.broadcast %parallel_loop3A_85 : i32 to vector<16xi32>
      %parallel_loop3A_87 = arith.muli %parallel_loop3A_84, %parallel_loop3A_86 : vector<16xi32>
      %parallel_loop3A_88 = arith.addi %parallel_loop3A_87, %parallel_loop3A_24 : vector<16xi32>
      %parallel_loop3A_89 = tpu.vector_load_idx %arg8[%parallel_loop3A_88] : memref<33000xf32, #tpu.memory_space<vmem>>[vector<16xi32>], vector<16xf32>,
      %parallel_loop3A_90 = arith.constant 999 : i32
      %parallel_loop3A_91 = vector.broadcast %parallel_loop3A_90 : i32 to vector<16xi32>
      %parallel_loop3A_92 = arith.cmpi sle, %parallel_loop3A_81, %parallel_loop3A_91 : vector<16xi32>
      %parallel_loop3A_93 = arith.cmpf olt, %parallel_loop3A_89, %parallel_loop3A_26 : vector<16xf32>
      %parallel_loop3A_94 = arith.andi %parallel_loop3A_92, %parallel_loop3A_93 : vector<16xi1>
      %parallel_loop3A_95 = arith.select %parallel_loop3A_94, %parallel_loop3A_81, %parallel_loop3A_78 : vector<16xi1>, vector<16xi32>
      %parallel_loop3A_96 = arith.constant 8 : i32
      %parallel_loop3A_97 = vector.broadcast %parallel_loop3A_96 : i32 to vector<16xi32>
      %parallel_loop3A_98 = arith.addi %parallel_loop3A_95, %parallel_loop3A_97 : vector<16xi32>
      %parallel_loop3A_99 = arith.constant 999 : i32
      %parallel_loop3A_100 = vector.broadcast %parallel_loop3A_99 : i32 to vector<16xi32>
      %parallel_loop3A_101 = arith.minsi %parallel_loop3A_98, %parallel_loop3A_100 : vector<16xi32>
      %parallel_loop3A_102 = arith.constant 33 : i32
      %parallel_loop3A_103 = vector.broadcast %parallel_loop3A_102 : i32 to vector<16xi32>
      %parallel_loop3A_104 = arith.muli %parallel_loop3A_101, %parallel_loop3A_103 : vector<16xi32>
      %parallel_loop3A_105 = arith.addi %parallel_loop3A_104, %parallel_loop3A_24 : vector<16xi32>
      %parallel_loop3A_106 = tpu.vector_load_idx %arg8[%parallel_loop3A_105] : memref<33000xf32, #tpu.memory_space<vmem>>[vector<16xi32>], vector<16xf32>,
      %parallel_loop3A_107 = arith.constant 999 : i32
      %parallel_loop3A_108 = vector.broadcast %parallel_loop3A_107 : i32 to vector<16xi32>
      %parallel_loop3A_109 = arith.cmpi sle, %parallel_loop3A_98, %parallel_loop3A_108 : vector<16xi32>
      %parallel_loop3A_110 = arith.cmpf olt, %parallel_loop3A_106, %parallel_loop3A_26 : vector<16xf32>
      %parallel_loop3A_111 = arith.andi %parallel_loop3A_109, %parallel_loop3A_110 : vector<16xi1>
      %parallel_loop3A_112 = arith.select %parallel_loop3A_111, %parallel_loop3A_98, %parallel_loop3A_95 : vector<16xi1>, vector<16xi32>
      %parallel_loop3A_113 = arith.constant 4 : i32
      %parallel_loop3A_114 = vector.broadcast %parallel_loop3A_113 : i32 to vector<16xi32>
      %parallel_loop3A_115 = arith.addi %parallel_loop3A_112, %parallel_loop3A_114 : vector<16xi32>
      %parallel_loop3A_116 = arith.constant 999 : i32
      %parallel_loop3A_117 = vector.broadcast %parallel_loop3A_116 : i32 to vector<16xi32>
      %parallel_loop3A_118 = arith.minsi %parallel_loop3A_115, %parallel_loop3A_117 : vector<16xi32>
      %parallel_loop3A_119 = arith.constant 33 : i32
      %parallel_loop3A_120 = vector.broadcast %parallel_loop3A_119 : i32 to vector<16xi32>
      %parallel_loop3A_121 = arith.muli %parallel_loop3A_118, %parallel_loop3A_120 : vector<16xi32>
      %parallel_loop3A_122 = arith.addi %parallel_loop3A_121, %parallel_loop3A_24 : vector<16xi32>
      %parallel_loop3A_123 = tpu.vector_load_idx %arg8[%parallel_loop3A_122] : memref<33000xf32, #tpu.memory_space<vmem>>[vector<16xi32>], vector<16xf32>,
      %parallel_loop3A_124 = arith.constant 999 : i32
      %parallel_loop3A_125 = vector.broadcast %parallel_loop3A_124 : i32 to vector<16xi32>
      %parallel_loop3A_126 = arith.cmpi sle, %parallel_loop3A_115, %parallel_loop3A_125 : vector<16xi32>
      %parallel_loop3A_127 = arith.cmpf olt, %parallel_loop3A_123, %parallel_loop3A_26 : vector<16xf32>
      %parallel_loop3A_128 = arith.andi %parallel_loop3A_126, %parallel_loop3A_127 : vector<16xi1>
      %parallel_loop3A_129 = arith.select %parallel_loop3A_128, %parallel_loop3A_115, %parallel_loop3A_112 : vector<16xi1>, vector<16xi32>
      %parallel_loop3A_130 = arith.constant 2 : i32
      %parallel_loop3A_131 = vector.broadcast %parallel_loop3A_130 : i32 to vector<16xi32>
      %parallel_loop3A_132 = arith.addi %parallel_loop3A_129, %parallel_loop3A_131 : vector<16xi32>
      %parallel_loop3A_133 = arith.constant 999 : i32
      %parallel_loop3A_134 = vector.broadcast %parallel_loop3A_133 : i32 to vector<16xi32>
      %parallel_loop3A_135 = arith.minsi %parallel_loop3A_132, %parallel_loop3A_134 : vector<16xi32>
      %parallel_loop3A_136 = arith.constant 33 : i32
      %parallel_loop3A_137 = vector.broadcast %parallel_loop3A_136 : i32 to vector<16xi32>
      %parallel_loop3A_138 = arith.muli %parallel_loop3A_135, %parallel_loop3A_137 : vector<16xi32>
      %parallel_loop3A_139 = arith.addi %parallel_loop3A_138, %parallel_loop3A_24 : vector<16xi32>
      %parallel_loop3A_140 = tpu.vector_load_idx %arg8[%parallel_loop3A_139] : memref<33000xf32, #tpu.memory_space<vmem>>[vector<16xi32>], vector<16xf32>,
      %parallel_loop3A_141 = arith.constant 999 : i32
      %parallel_loop3A_142 = vector.broadcast %parallel_loop3A_141 : i32 to vector<16xi32>
      %parallel_loop3A_143 = arith.cmpi sle, %parallel_loop3A_132, %parallel_loop3A_142 : vector<16xi32>
      %parallel_loop3A_144 = arith.cmpf olt, %parallel_loop3A_140, %parallel_loop3A_26 : vector<16xf32>
      %parallel_loop3A_145 = arith.andi %parallel_loop3A_143, %parallel_loop3A_144 : vector<16xi1>
      %parallel_loop3A_146 = arith.select %parallel_loop3A_145, %parallel_loop3A_132, %parallel_loop3A_129 : vector<16xi1>, vector<16xi32>
      %parallel_loop3A_147 = arith.constant 1 : i32
      %parallel_loop3A_148 = vector.broadcast %parallel_loop3A_147 : i32 to vector<16xi32>
      %parallel_loop3A_149 = arith.addi %parallel_loop3A_146, %parallel_loop3A_148 : vector<16xi32>
      %parallel_loop3A_150 = arith.constant 999 : i32
      %parallel_loop3A_151 = vector.broadcast %parallel_loop3A_150 : i32 to vector<16xi32>
      %parallel_loop3A_152 = arith.minsi %parallel_loop3A_149, %parallel_loop3A_151 : vector<16xi32>
      %parallel_loop3A_153 = arith.constant 33 : i32
      %parallel_loop3A_154 = vector.broadcast %parallel_loop3A_153 : i32 to vector<16xi32>
      %parallel_loop3A_155 = arith.muli %parallel_loop3A_152, %parallel_loop3A_154 : vector<16xi32>
      %parallel_loop3A_156 = arith.addi %parallel_loop3A_155, %parallel_loop3A_24 : vector<16xi32>
      %parallel_loop3A_157 = tpu.vector_load_idx %arg8[%parallel_loop3A_156] : memref<33000xf32, #tpu.memory_space<vmem>>[vector<16xi32>], vector<16xf32>,
      %parallel_loop3A_158 = arith.constant 999 : i32
      %parallel_loop3A_159 = vector.broadcast %parallel_loop3A_158 : i32 to vector<16xi32>
      %parallel_loop3A_160 = arith.cmpi sle, %parallel_loop3A_149, %parallel_loop3A_159 : vector<16xi32>
      %parallel_loop3A_161 = arith.cmpf olt, %parallel_loop3A_157, %parallel_loop3A_26 : vector<16xf32>
      %parallel_loop3A_162 = arith.andi %parallel_loop3A_160, %parallel_loop3A_161 : vector<16xi1>
      %parallel_loop3A_163 = arith.select %parallel_loop3A_162, %parallel_loop3A_149, %parallel_loop3A_146 : vector<16xi1>, vector<16xi32>
      %parallel_loop3A_164 = arith.constant 1 : i32
      %parallel_loop3A_165 = vector.broadcast %parallel_loop3A_164 : i32 to vector<16xi32>
      %parallel_loop3A_166 = arith.addi %parallel_loop3A_163, %parallel_loop3A_165 : vector<16xi32>
      %parallel_loop3A_167 = arith.constant 33 : i32
      %parallel_loop3A_168 = vector.broadcast %parallel_loop3A_167 : i32 to vector<16xi32>
      %parallel_loop3A_169 = arith.muli %parallel_loop3A_163, %parallel_loop3A_168 : vector<16xi32>
      %parallel_loop3A_170 = arith.addi %parallel_loop3A_169, %parallel_loop3A_24 : vector<16xi32>
      %parallel_loop3A_171 = tpu.vector_load_idx %arg8[%parallel_loop3A_170] : memref<33000xf32, #tpu.memory_space<vmem>>[vector<16xi32>], vector<16xf32>,
      %parallel_loop3A_172 = arith.constant 33 : i32
      %parallel_loop3A_173 = vector.broadcast %parallel_loop3A_172 : i32 to vector<16xi32>
      %parallel_loop3A_174 = arith.muli %parallel_loop3A_166, %parallel_loop3A_173 : vector<16xi32>
      %parallel_loop3A_175 = arith.addi %parallel_loop3A_174, %parallel_loop3A_24 : vector<16xi32>
      %parallel_loop3A_176 = tpu.vector_load_idx %arg8[%parallel_loop3A_175] : memref<33000xf32, #tpu.memory_space<vmem>>[vector<16xi32>], vector<16xf32>,
      %parallel_loop3A_177 = tpu.vector_load_idx %arg9[%parallel_loop3A_163] : memref<1000xf32, #tpu.memory_space<vmem>>[vector<16xi32>], vector<16xf32>,
      %parallel_loop3A_178 = tpu.vector_load_idx %arg9[%parallel_loop3A_166] : memref<1000xf32, #tpu.memory_space<vmem>>[vector<16xi32>], vector<16xf32>,
      %parallel_loop3A_179 = arith.subf %parallel_loop3A_176, %parallel_loop3A_171 : vector<16xf32>
      %parallel_loop3A_180 = arith.constant 1.000000e-10 : f32
      %parallel_loop3A_181 = vector.broadcast %parallel_loop3A_180 : f32 to vector<16xf32>
      %parallel_loop3A_182 = arith.maximumf %parallel_loop3A_179, %parallel_loop3A_181 : vector<16xf32>
      %parallel_loop3A_183 = arith.subf %parallel_loop3A_26, %parallel_loop3A_171 : vector<16xf32>
      %parallel_loop3A_184 = arith.subf %parallel_loop3A_178, %parallel_loop3A_177 : vector<16xf32>
      %parallel_loop3A_185 = arith.mulf %parallel_loop3A_183, %parallel_loop3A_184 : vector<16xf32>
      %parallel_loop3A_186 = arith.divf %parallel_loop3A_185, %parallel_loop3A_182 : vector<16xf32>
      %parallel_loop3A_187 = arith.addf %parallel_loop3A_177, %parallel_loop3A_186 : vector<16xf32>
      %parallel_loop3A_188 = arith.constant 0 : i32
      %parallel_loop3A_189 = arith.index_cast %parallel_loop3A_188 : i32 to index
      %parallel_loop3A_190 = arith.index_cast %parallel_loop3A_22 : i32 to index
      %parallel_loop3A_191 = tpu.vector_load %arg12[%parallel_loop3A_189, %parallel_loop3A_190] {strides = array<i32>} : memref<3x2048xf32, #tpu.memory_space<vmem>>, vector<16xf32>,
      %parallel_loop3A_192 = arith.constant 1 : i32
      %parallel_loop3A_193 = arith.index_cast %parallel_loop3A_192 : i32 to index
      %parallel_loop3A_194 = arith.index_cast %parallel_loop3A_22 : i32 to index
      %parallel_loop3A_195 = tpu.vector_load %arg12[%parallel_loop3A_193, %parallel_loop3A_194] {strides = array<i32>} : memref<3x2048xf32, #tpu.memory_space<vmem>>, vector<16xf32>,
      %parallel_loop3A_196 = arith.constant 2 : i32
      %parallel_loop3A_197 = arith.index_cast %parallel_loop3A_196 : i32 to index
      %parallel_loop3A_198 = arith.index_cast %parallel_loop3A_22 : i32 to index
      %parallel_loop3A_199 = tpu.vector_load %arg12[%parallel_loop3A_197, %parallel_loop3A_198] {strides = array<i32>} : memref<3x2048xf32, #tpu.memory_space<vmem>>, vector<16xf32>,
      %parallel_loop3A_200 = arith.mulf %parallel_loop3A_191, %parallel_loop3A_191 : vector<16xf32>
      %parallel_loop3A_201 = arith.mulf %parallel_loop3A_195, %parallel_loop3A_195 : vector<16xf32>
      %parallel_loop3A_202 = arith.addf %parallel_loop3A_200, %parallel_loop3A_201 : vector<16xf32>
      %parallel_loop3A_203 = arith.mulf %parallel_loop3A_199, %parallel_loop3A_199 : vector<16xf32>
      %parallel_loop3A_204 = arith.addf %parallel_loop3A_202, %parallel_loop3A_203 : vector<16xf32>
      %parallel_loop3A_205 = arith.constant 1.000000e-30 : f32
      %parallel_loop3A_206 = vector.broadcast %parallel_loop3A_205 : f32 to vector<16xf32>
      %parallel_loop3A_207 = arith.maximumf %parallel_loop3A_204, %parallel_loop3A_206 : vector<16xf32>
      %parallel_loop3A_208 = vector.bitcast %parallel_loop3A_207 : vector<16xf32> to vector<16xi32>
      %parallel_loop3A_209 = arith.constant 1 : i32
      %parallel_loop3A_210 = vector.broadcast %parallel_loop3A_209 : i32 to vector<16xi32>
      %parallel_loop3A_211 = arith.shrsi %parallel_loop3A_208, %parallel_loop3A_210 : vector<16xi32>
      %parallel_loop3A_212 = arith.constant 1597463007 : i32
      %parallel_loop3A_213 = vector.broadcast %parallel_loop3A_212 : i32 to vector<16xi32>
      %parallel_loop3A_214 = arith.subi %parallel_loop3A_213, %parallel_loop3A_211 : vector<16xi32>
      %parallel_loop3A_215 = vector.bitcast %parallel_loop3A_214 : vector<16xi32> to vector<16xf32>
      %parallel_loop3A_216 = arith.constant 5.000000e-01 : f32
      %parallel_loop3A_217 = vector.broadcast %parallel_loop3A_216 : f32 to vector<16xf32>
      %parallel_loop3A_218 = arith.mulf %parallel_loop3A_217, %parallel_loop3A_207 : vector<16xf32>
      %parallel_loop3A_219 = arith.mulf %parallel_loop3A_218, %parallel_loop3A_215 : vector<16xf32>
      %parallel_loop3A_220 = arith.mulf %parallel_loop3A_219, %parallel_loop3A_215 : vector<16xf32>
      %parallel_loop3A_221 = arith.constant 1.500000e+00 : f32
      %parallel_loop3A_222 = vector.broadcast %parallel_loop3A_221 : f32 to vector<16xf32>
      %parallel_loop3A_223 = arith.subf %parallel_loop3A_222, %parallel_loop3A_220 : vector<16xf32>
      %parallel_loop3A_224 = arith.mulf %parallel_loop3A_215, %parallel_loop3A_223 : vector<16xf32>
      %parallel_loop3A_225 = arith.constant 5.000000e-01 : f32
      %parallel_loop3A_226 = vector.broadcast %parallel_loop3A_225 : f32 to vector<16xf32>
      %parallel_loop3A_227 = arith.mulf %parallel_loop3A_226, %parallel_loop3A_207 : vector<16xf32>
      %parallel_loop3A_228 = arith.mulf %parallel_loop3A_227, %parallel_loop3A_224 : vector<16xf32>
      %parallel_loop3A_229 = arith.mulf %parallel_loop3A_228, %parallel_loop3A_224 : vector<16xf32>
      %parallel_loop3A_230 = arith.constant 1.500000e+00 : f32
      %parallel_loop3A_231 = vector.broadcast %parallel_loop3A_230 : f32 to vector<16xf32>
      %parallel_loop3A_232 = arith.subf %parallel_loop3A_231, %parallel_loop3A_229 : vector<16xf32>
      %parallel_loop3A_233 = arith.mulf %parallel_loop3A_224, %parallel_loop3A_232 : vector<16xf32>
      %parallel_loop3A_234 = arith.mulf %parallel_loop3A_204, %parallel_loop3A_233 : vector<16xf32>
      %parallel_loop3A_235 = arith.constant 1.000000e-07 : f32
      %parallel_loop3A_236 = vector.broadcast %parallel_loop3A_235 : f32 to vector<16xf32>
      %parallel_loop3A_237 = arith.addf %parallel_loop3A_234, %parallel_loop3A_236 : vector<16xf32>
      %parallel_loop3A_238 = arith.divf %parallel_loop3A_187, %parallel_loop3A_237 : vector<16xf32>
      %parallel_loop3A_239 = arith.mulf %parallel_loop3A_191, %parallel_loop3A_238 : vector<16xf32>
      %parallel_loop3A_240 = arith.mulf %parallel_loop3A_195, %parallel_loop3A_238 : vector<16xf32>
      %parallel_loop3A_241 = arith.mulf %parallel_loop3A_199, %parallel_loop3A_238 : vector<16xf32>
      %parallel_loop3A_242 = arith.mulf %parallel_loop3A_239, %parallel_loop3A_239 : vector<16xf32>
      %parallel_loop3A_243 = arith.mulf %parallel_loop3A_240, %parallel_loop3A_240 : vector<16xf32>
      %parallel_loop3A_244 = arith.addf %parallel_loop3A_242, %parallel_loop3A_243 : vector<16xf32>
      %parallel_loop3A_245 = arith.mulf %parallel_loop3A_241, %parallel_loop3A_241 : vector<16xf32>
      %parallel_loop3A_246 = arith.addf %parallel_loop3A_244, %parallel_loop3A_245 : vector<16xf32>
      %parallel_loop3A_247 = arith.constant 2.500000e-01 : f32
      %parallel_loop3A_248 = vector.broadcast %parallel_loop3A_247 : f32 to vector<16xf32>
      %parallel_loop3A_249 = arith.mulf %parallel_loop3A_246, %parallel_loop3A_248 : vector<16xf32>
      %parallel_loop3A_250 = arith.constant -2.38894984E-8 : f32
      %parallel_loop3A_251 = vector.broadcast %parallel_loop3A_250 : f32 to vector<16xf32>
      %parallel_loop3A_252 = arith.mulf %parallel_loop3A_251, %parallel_loop3A_249 : vector<16xf32>
      %parallel_loop3A_253 = arith.constant 2.75252864E-6 : f32
      %parallel_loop3A_254 = vector.broadcast %parallel_loop3A_253 : f32 to vector<16xf32>
      %parallel_loop3A_255 = arith.addf %parallel_loop3A_252, %parallel_loop3A_254 : vector<16xf32>
      %parallel_loop3A_256 = arith.mulf %parallel_loop3A_255, %parallel_loop3A_249 : vector<16xf32>
      %parallel_loop3A_257 = arith.constant -1.98408612E-4 : f32
      %parallel_loop3A_258 = vector.broadcast %parallel_loop3A_257 : f32 to vector<16xf32>
      %parallel_loop3A_259 = arith.addf %parallel_loop3A_256, %parallel_loop3A_258 : vector<16xf32>
      %parallel_loop3A_260 = arith.mulf %parallel_loop3A_259, %parallel_loop3A_249 : vector<16xf32>
      %parallel_loop3A_261 = arith.constant 0.00833333097 : f32
      %parallel_loop3A_262 = vector.broadcast %parallel_loop3A_261 : f32 to vector<16xf32>
      %parallel_loop3A_263 = arith.addf %parallel_loop3A_260, %parallel_loop3A_262 : vector<16xf32>
      %parallel_loop3A_264 = arith.mulf %parallel_loop3A_263, %parallel_loop3A_249 : vector<16xf32>
      %parallel_loop3A_265 = arith.constant -0.166666672 : f32
      %parallel_loop3A_266 = vector.broadcast %parallel_loop3A_265 : f32 to vector<16xf32>
      %parallel_loop3A_267 = arith.addf %parallel_loop3A_264, %parallel_loop3A_266 : vector<16xf32>
      %parallel_loop3A_268 = arith.mulf %parallel_loop3A_267, %parallel_loop3A_249 : vector<16xf32>
      %parallel_loop3A_269 = arith.constant 1.000000e+00 : f32
      %parallel_loop3A_270 = vector.broadcast %parallel_loop3A_269 : f32 to vector<16xf32>
      %parallel_loop3A_271 = arith.addf %parallel_loop3A_268, %parallel_loop3A_270 : vector<16xf32>
      %parallel_loop3A_272 = arith.constant 1.99076822E-9 : f32
      %parallel_loop3A_273 = vector.broadcast %parallel_loop3A_272 : f32 to vector<16xf32>
      %parallel_loop3A_274 = arith.mulf %parallel_loop3A_273, %parallel_loop3A_249 : vector<16xf32>
      %parallel_loop3A_275 = arith.constant -2.75246833E-7 : f32
      %parallel_loop3A_276 = vector.broadcast %parallel_loop3A_275 : f32 to vector<16xf32>
      %parallel_loop3A_277 = arith.addf %parallel_loop3A_274, %parallel_loop3A_276 : vector<16xf32>
      %parallel_loop3A_278 = arith.mulf %parallel_loop3A_277, %parallel_loop3A_249 : vector<16xf32>
      %parallel_loop3A_279 = arith.constant 2.48010401E-5 : f32
      %parallel_loop3A_280 = vector.broadcast %parallel_loop3A_279 : f32 to vector<16xf32>
      %parallel_loop3A_281 = arith.addf %parallel_loop3A_278, %parallel_loop3A_280 : vector<16xf32>
      %parallel_loop3A_282 = arith.mulf %parallel_loop3A_281, %parallel_loop3A_249 : vector<16xf32>
      %parallel_loop3A_283 = arith.constant -0.00138888846 : f32
      %parallel_loop3A_284 = vector.broadcast %parallel_loop3A_283 : f32 to vector<16xf32>
      %parallel_loop3A_285 = arith.addf %parallel_loop3A_282, %parallel_loop3A_284 : vector<16xf32>
      %parallel_loop3A_286 = arith.mulf %parallel_loop3A_285, %parallel_loop3A_249 : vector<16xf32>
      %parallel_loop3A_287 = arith.constant 0.0416666679 : f32
      %parallel_loop3A_288 = vector.broadcast %parallel_loop3A_287 : f32 to vector<16xf32>
      %parallel_loop3A_289 = arith.addf %parallel_loop3A_286, %parallel_loop3A_288 : vector<16xf32>
      %parallel_loop3A_290 = arith.mulf %parallel_loop3A_289, %parallel_loop3A_249 : vector<16xf32>
      %parallel_loop3A_291 = arith.constant -5.000000e-01 : f32
      %parallel_loop3A_292 = vector.broadcast %parallel_loop3A_291 : f32 to vector<16xf32>
      %parallel_loop3A_293 = arith.addf %parallel_loop3A_290, %parallel_loop3A_292 : vector<16xf32>
      %parallel_loop3A_294 = arith.mulf %parallel_loop3A_293, %parallel_loop3A_249 : vector<16xf32>
      %parallel_loop3A_295 = arith.constant 1.000000e+00 : f32
      %parallel_loop3A_296 = vector.broadcast %parallel_loop3A_295 : f32 to vector<16xf32>
      %parallel_loop3A_297 = arith.addf %parallel_loop3A_294, %parallel_loop3A_296 : vector<16xf32>
      %parallel_loop3A_298 = arith.mulf %parallel_loop3A_271, %parallel_loop3A_297 : vector<16xf32>
      %parallel_loop3A_299 = arith.mulf %parallel_loop3A_271, %parallel_loop3A_271 : vector<16xf32>
      %parallel_loop3A_300 = arith.constant 5.000000e-01 : f32
      %parallel_loop3A_301 = vector.broadcast %parallel_loop3A_300 : f32 to vector<16xf32>
      %parallel_loop3A_302 = arith.mulf %parallel_loop3A_301, %parallel_loop3A_299 : vector<16xf32>
      %parallel_loop3A_303 = arith.mulf %parallel_loop3A_239, %parallel_loop3A_239 : vector<16xf32>
      %parallel_loop3A_304 = arith.mulf %parallel_loop3A_240, %parallel_loop3A_240 : vector<16xf32>
      %parallel_loop3A_305 = arith.mulf %parallel_loop3A_241, %parallel_loop3A_241 : vector<16xf32>
      %parallel_loop3A_306 = arith.mulf %parallel_loop3A_239, %parallel_loop3A_240 : vector<16xf32>
      %parallel_loop3A_307 = arith.mulf %parallel_loop3A_239, %parallel_loop3A_241 : vector<16xf32>
      %parallel_loop3A_308 = arith.mulf %parallel_loop3A_240, %parallel_loop3A_241 : vector<16xf32>
      %parallel_loop3A_309 = arith.addf %parallel_loop3A_304, %parallel_loop3A_305 : vector<16xf32>
      %parallel_loop3A_310 = arith.mulf %parallel_loop3A_302, %parallel_loop3A_309 : vector<16xf32>
      %parallel_loop3A_311 = arith.constant 1.000000e+00 : f32
      %parallel_loop3A_312 = vector.broadcast %parallel_loop3A_311 : f32 to vector<16xf32>
      %parallel_loop3A_313 = arith.subf %parallel_loop3A_312, %parallel_loop3A_310 : vector<16xf32>
      %parallel_loop3A_314 = arith.mulf %parallel_loop3A_302, %parallel_loop3A_306 : vector<16xf32>
      %parallel_loop3A_315 = arith.mulf %parallel_loop3A_298, %parallel_loop3A_241 : vector<16xf32>
      %parallel_loop3A_316 = arith.subf %parallel_loop3A_314, %parallel_loop3A_315 : vector<16xf32>
      %parallel_loop3A_317 = arith.mulf %parallel_loop3A_302, %parallel_loop3A_307 : vector<16xf32>
      %parallel_loop3A_318 = arith.mulf %parallel_loop3A_298, %parallel_loop3A_240 : vector<16xf32>
      %parallel_loop3A_319 = arith.addf %parallel_loop3A_317, %parallel_loop3A_318 : vector<16xf32>
      %parallel_loop3A_320 = arith.mulf %parallel_loop3A_302, %parallel_loop3A_306 : vector<16xf32>
      %parallel_loop3A_321 = arith.mulf %parallel_loop3A_298, %parallel_loop3A_241 : vector<16xf32>
      %parallel_loop3A_322 = arith.addf %parallel_loop3A_320, %parallel_loop3A_321 : vector<16xf32>
      %parallel_loop3A_323 = arith.addf %parallel_loop3A_303, %parallel_loop3A_305 : vector<16xf32>
      %parallel_loop3A_324 = arith.mulf %parallel_loop3A_302, %parallel_loop3A_323 : vector<16xf32>
      %parallel_loop3A_325 = arith.constant 1.000000e+00 : f32
      %parallel_loop3A_326 = vector.broadcast %parallel_loop3A_325 : f32 to vector<16xf32>
      %parallel_loop3A_327 = arith.subf %parallel_loop3A_326, %parallel_loop3A_324 : vector<16xf32>
      %parallel_loop3A_328 = arith.mulf %parallel_loop3A_302, %parallel_loop3A_308 : vector<16xf32>
      %parallel_loop3A_329 = arith.mulf %parallel_loop3A_298, %parallel_loop3A_239 : vector<16xf32>
      %parallel_loop3A_330 = arith.subf %parallel_loop3A_328, %parallel_loop3A_329 : vector<16xf32>
      %parallel_loop3A_331 = arith.mulf %parallel_loop3A_302, %parallel_loop3A_307 : vector<16xf32>
      %parallel_loop3A_332 = arith.mulf %parallel_loop3A_298, %parallel_loop3A_240 : vector<16xf32>
      %parallel_loop3A_333 = arith.subf %parallel_loop3A_331, %parallel_loop3A_332 : vector<16xf32>
      %parallel_loop3A_334 = arith.mulf %parallel_loop3A_302, %parallel_loop3A_308 : vector<16xf32>
      %parallel_loop3A_335 = arith.mulf %parallel_loop3A_298, %parallel_loop3A_239 : vector<16xf32>
      %parallel_loop3A_336 = arith.addf %parallel_loop3A_334, %parallel_loop3A_335 : vector<16xf32>
      %parallel_loop3A_337 = arith.addf %parallel_loop3A_303, %parallel_loop3A_304 : vector<16xf32>
      %parallel_loop3A_338 = arith.mulf %parallel_loop3A_302, %parallel_loop3A_337 : vector<16xf32>
      %parallel_loop3A_339 = arith.constant 1.000000e+00 : f32
      %parallel_loop3A_340 = vector.broadcast %parallel_loop3A_339 : f32 to vector<16xf32>
      %parallel_loop3A_341 = arith.subf %parallel_loop3A_340, %parallel_loop3A_338 : vector<16xf32>
      %parallel_loop3A_342 = arith.constant 0 : i32
      %parallel_loop3A_343 = arith.index_cast %parallel_loop3A_342 : i32 to index
      %parallel_loop3A_344 = arith.index_cast %parallel_loop3A_22 : i32 to index
      %parallel_loop3A_345 = tpu.vector_load %arg13[%parallel_loop3A_343, %parallel_loop3A_344] {strides = array<i32>} : memref<9x2048xf32, #tpu.memory_space<vmem>>, vector<16xf32>,
      tpu.vector_store %arg13[%parallel_loop3A_343, %parallel_loop3A_344], %parallel_loop3A_313 {strides = array<i32>} : memref<9x2048xf32, #tpu.memory_space<vmem>>, vector<16xf32>,
      %parallel_loop3A_346 = arith.constant 1 : i32
      %parallel_loop3A_347 = arith.index_cast %parallel_loop3A_346 : i32 to index
      %parallel_loop3A_348 = arith.index_cast %parallel_loop3A_22 : i32 to index
      %parallel_loop3A_349 = tpu.vector_load %arg13[%parallel_loop3A_347, %parallel_loop3A_348] {strides = array<i32>} : memref<9x2048xf32, #tpu.memory_space<vmem>>, vector<16xf32>,
      tpu.vector_store %arg13[%parallel_loop3A_347, %parallel_loop3A_348], %parallel_loop3A_316 {strides = array<i32>} : memref<9x2048xf32, #tpu.memory_space<vmem>>, vector<16xf32>,
      %parallel_loop3A_350 = arith.constant 2 : i32
      %parallel_loop3A_351 = arith.index_cast %parallel_loop3A_350 : i32 to index
      %parallel_loop3A_352 = arith.index_cast %parallel_loop3A_22 : i32 to index
      %parallel_loop3A_353 = tpu.vector_load %arg13[%parallel_loop3A_351, %parallel_loop3A_352] {strides = array<i32>} : memref<9x2048xf32, #tpu.memory_space<vmem>>, vector<16xf32>,
      tpu.vector_store %arg13[%parallel_loop3A_351, %parallel_loop3A_352], %parallel_loop3A_319 {strides = array<i32>} : memref<9x2048xf32, #tpu.memory_space<vmem>>, vector<16xf32>,
      %parallel_loop3A_354 = arith.constant 3 : i32
      %parallel_loop3A_355 = arith.index_cast %parallel_loop3A_354 : i32 to index
      %parallel_loop3A_356 = arith.index_cast %parallel_loop3A_22 : i32 to index
      %parallel_loop3A_357 = tpu.vector_load %arg13[%parallel_loop3A_355, %parallel_loop3A_356] {strides = array<i32>} : memref<9x2048xf32, #tpu.memory_space<vmem>>, vector<16xf32>,
      tpu.vector_store %arg13[%parallel_loop3A_355, %parallel_loop3A_356], %parallel_loop3A_322 {strides = array<i32>} : memref<9x2048xf32, #tpu.memory_space<vmem>>, vector<16xf32>,
      %parallel_loop3A_358 = arith.constant 4 : i32
      %parallel_loop3A_359 = arith.index_cast %parallel_loop3A_358 : i32 to index
      %parallel_loop3A_360 = arith.index_cast %parallel_loop3A_22 : i32 to index
      %parallel_loop3A_361 = tpu.vector_load %arg13[%parallel_loop3A_359, %parallel_loop3A_360] {strides = array<i32>} : memref<9x2048xf32, #tpu.memory_space<vmem>>, vector<16xf32>,
      tpu.vector_store %arg13[%parallel_loop3A_359, %parallel_loop3A_360], %parallel_loop3A_327 {strides = array<i32>} : memref<9x2048xf32, #tpu.memory_space<vmem>>, vector<16xf32>,
      %parallel_loop3A_362 = arith.constant 5 : i32
      %parallel_loop3A_363 = arith.index_cast %parallel_loop3A_362 : i32 to index
      %parallel_loop3A_364 = arith.index_cast %parallel_loop3A_22 : i32 to index
      %parallel_loop3A_365 = tpu.vector_load %arg13[%parallel_loop3A_363, %parallel_loop3A_364] {strides = array<i32>} : memref<9x2048xf32, #tpu.memory_space<vmem>>, vector<16xf32>,
      tpu.vector_store %arg13[%parallel_loop3A_363, %parallel_loop3A_364], %parallel_loop3A_330 {strides = array<i32>} : memref<9x2048xf32, #tpu.memory_space<vmem>>, vector<16xf32>,
      %parallel_loop3A_366 = arith.constant 6 : i32
      %parallel_loop3A_367 = arith.index_cast %parallel_loop3A_366 : i32 to index
      %parallel_loop3A_368 = arith.index_cast %parallel_loop3A_22 : i32 to index
      %parallel_loop3A_369 = tpu.vector_load %arg13[%parallel_loop3A_367, %parallel_loop3A_368] {strides = array<i32>} : memref<9x2048xf32, #tpu.memory_space<vmem>>, vector<16xf32>,
      tpu.vector_store %arg13[%parallel_loop3A_367, %parallel_loop3A_368], %parallel_loop3A_333 {strides = array<i32>} : memref<9x2048xf32, #tpu.memory_space<vmem>>, vector<16xf32>,
      %parallel_loop3A_370 = arith.constant 7 : i32
      %parallel_loop3A_371 = arith.index_cast %parallel_loop3A_370 : i32 to index
      %parallel_loop3A_372 = arith.index_cast %parallel_loop3A_22 : i32 to index
      %parallel_loop3A_373 = tpu.vector_load %arg13[%parallel_loop3A_371, %parallel_loop3A_372] {strides = array<i32>} : memref<9x2048xf32, #tpu.memory_space<vmem>>, vector<16xf32>,
      tpu.vector_store %arg13[%parallel_loop3A_371, %parallel_loop3A_372], %parallel_loop3A_336 {strides = array<i32>} : memref<9x2048xf32, #tpu.memory_space<vmem>>, vector<16xf32>,
      %parallel_loop3A_374 = arith.constant 8 : i32
      %parallel_loop3A_375 = arith.index_cast %parallel_loop3A_374 : i32 to index
      %parallel_loop3A_376 = arith.index_cast %parallel_loop3A_22 : i32 to index
      %parallel_loop3A_377 = tpu.vector_load %arg13[%parallel_loop3A_375, %parallel_loop3A_376] {strides = array<i32>} : memref<9x2048xf32, #tpu.memory_space<vmem>>, vector<16xf32>,
      tpu.vector_store %arg13[%parallel_loop3A_375, %parallel_loop3A_376], %parallel_loop3A_341 {strides = array<i32>} : memref<9x2048xf32, #tpu.memory_space<vmem>>, vector<16xf32>,
    } {sc.loop_unroll_factor = 8 : i64, sc.parallel_access}
    "tpu.region"() ({
      %run_scoped3A = tpu.sem_alloc : memref<!tpu.dma_semaphore, #tpu.memory_space<semaphore_mem>>
      %dma_start3A_19 = arith.constant 0 : i32
      %dma_start3A_20 = tpu.memref_slice %arg7[%dma_start3A_19, %mul3A_2] : memref<9x65536xf32, #tpu.memory_space<hbm>> -> memref<9x2048xf32, #tpu.memory_space<hbm>>
      %dma_start3A_21 = arith.constant 0 : i32
      %dma_start3A_22 = tpu.memref_slice %arg7[%dma_start3A_21, %mul3A_2] : memref<9x65536xf32, #tpu.memory_space<hbm>> -> memref<9x2048xf32, #tpu.memory_space<hbm>>
      tpu.enqueue_dma source(%arg13 : memref<9x2048xf32, #tpu.memory_space<vmem>>) target(%dma_start3A_22 : memref<9x2048xf32, #tpu.memory_space<hbm>>) target_semaphore(%run_scoped3A : memref<!tpu.dma_semaphore, #tpu.memory_space<semaphore_mem>>)
      %dma_wait3A_23 = arith.constant 0 : i32
      %dma_wait3A_24 = tpu.memref_slice %arg7[%dma_wait3A_23, %mul3A_2] : memref<9x65536xf32, #tpu.memory_space<hbm>> -> memref<9x2048xf32, #tpu.memory_space<hbm>>
      %dma_wait3A_25 = arith.constant 0 : i32
      %dma_wait3A_26 = tpu.memref_slice %arg7[%dma_wait3A_25, %mul3A_2] : memref<9x65536xf32, #tpu.memory_space<hbm>> -> memref<9x2048xf32, #tpu.memory_space<hbm>>
      tpu.wait_dma2 semaphore(%run_scoped3A : memref<!tpu.dma_semaphore, #tpu.memory_space<semaphore_mem>>) src(%arg13 : memref<9x2048xf32, #tpu.memory_space<vmem>>) dst(%dma_wait3A_26 : memref<9x2048xf32, #tpu.memory_space<hbm>>)
      tpu.yield
    }) : () -> ()
    return
  }
}

</mosaic_0001>

<sc_bundles>
// kernel: kernel.3.cloned.1.call-start
scs
__scs_entry_jumppad:
0x0: {  	(pc) =	sbr.rel $0x88, $3  }
0x1: {  	(tag) =	ssettag $0x0;
	lr =	simm.s32 $0x1  }
0x2: {  	[smem:$0x3F9C] =	sst lr;
	_ =	strace $0xD0000000  }
0x3: {  	_ = 	snop  }
0x4: {  	_ = 	snop  }
0x5: {  	_ = 	snop  }
0x6: {  	_ = 	snop  }
0x7: {  	_ = 	snop  }
__scs_overlays_trampoline_lowered:
0x8: {  	[smem:$0x3FAB] =	sst s0  }
0x9: {  	[smem:$0x3FAC] =	sst s1  }
0xa: {  	[smem:$0x3FAD] =	sst s2  }
0xb: {  	[smem:$0x3FAE] =	sst s3  }
0xc: {  	[smem:$0x3FAF] =	sst s4  }
0xd: {  	[smem:$0x3FB0] =	sst s5  }
0xe: {  	[smem:$0x3FB1] =	sst s6  }
0xf: {  	[smem:$0x3FB2] =	sst s7  }
0x10: {  	[smem:$0x3FB3] =	sst s8  }
0x11: {  	[smem:$0x3FB4] =	sst s9;
	s0 =	simm.s32 @!p0 $0x0  }
0x12: {  	s1 =	sld [smem:$0x3F9A];
	s0 =	simm.s32 @p0 $0x1  }
0x13: {  	[smem:$0x3FB5] =	sst s0;
	s0 =	simm.s32 @!p1 $0x0  }
0x14: {  	s2 =	sld [smem:$0x3F99];
	s0 =	simm.s32 @p1 $0x1  }
0x15: {  	[smem:$0x3FB6] =	sst s0;
	s0 =	simm.s32 @!p2 $0x0  }
0x16: {  	s3 =	sld [smem:$0x3FDB];
	s0 =	simm.s32 @p2 $0x1  }
0x17: {  	s4 =	simm.s32 $0x1BF5;
	[smem:$0x3FB8] =	sst s0  }
0x18: {  	s0 =	sld [smem:$0x3F9B];
	_ =	swait.ge [sflag:s4], $0x0  }
0x19: {  	s7 =	sld [smem:$0x3F9C]  }
0x1a: {  	s8 =	sadd.s32 $0xFFFFE003, lr  }
0x1b: {  	s9 =	sadd.s32 $0xFFFFFEF7, lr;
	s5 =	simm.s32 $0xFFFFFFFF;
	p2 =	slt.u32 s8, $0xFFFFF086  }
0x1c: {  	p1 =	slt.u32 s9, $0xF7A;
	s5 =	simm.s32 @!p2 $0x0  }
0x1d: {  	s5 =	simm.s32 @p1 $0x1;
	p0 =	seq.s32 s7, s2  }
0x1e: {  	s7 =	smul.u32 @!p0 $0xF7A, s2;
	p2 =	seq.s32 @!p0 s5, $0x0  }
0x1f: {  	s9 =	smul.u32 $0xF7A, s1;
	s8 =	simm.s32 @!p0 $0x1BF5;
	p2 =	por !p2, p0  }
0x20: {  	[sflag:s8] =	ssyncset.s32 @!p0 $0xFFFFF086;
	s6 =	sadd.s32 @!p0 s3, s7;
	s7 =	simm.s32 @!p0 $0x108  }
0x21: {  	s3 =	sadd.s32 s3, s9;
	s6 =	sadd.s32 @!p0 $0x88, s6;
	s7 =	simm.s32 @p2 $0x1082  }
0x22: {  	[simem:s7], [sflag:s8] =	dma.local @!p0 [hbm:s6], $0xF7A  }
0x23: {  	s9 =	sor.u32 $0xD0000000, s2;
	s6 =	simm.s32 $0x108;
	_ =	swait.ge @!p0 [sflag:s8], $0x0  }
0x24: {  	s3 =	sadd.s32 $0x88, s3;
	s6 =	simm.s32 @!p1 $0x1082;
	[sflag:s4] =	ssyncset.s32 $0xFFFFF086  }
0x25: {  	[simem:s6], [sflag:s4] =	dma.local [hbm:s3], $0xF7A  }
0x26: {  	[smem:$0x3F9C] =	sst s1;
	(tag) =	ssettag s2;
	_ =	strace s9  }
0x27: {  	s1 =	sld [smem:$0x3FAC]  }
0x28: {  	s2 =	sld [smem:$0x3FAD]  }
0x29: {  	s4 =	sld [smem:$0x3FAF]  }
0x2a: {  	p0 =	seq.s32 s5, $0x0;
	s5 =	sld [smem:$0x3FB0]  }
0x2b: {  	s6 =	sld [smem:$0x3FB1]  }
0x2c: {  	s7 =	sld [smem:$0x3FB2]  }
0x2d: {  	s3 =	simm.s32 $0x108;
	s8 =	sld [smem:$0x3FB3]  }
0x2e: {  	s3 =	simm.s32 @!p0 $0x1082;
	s9 =	sld [smem:$0x3FB4]  }
0x2f: {  	lr =	sadd.s32 s0, s3;
	s0 =	sld [smem:$0x3FAB]  }
0x30: {  	s3 =	sld [smem:$0x3FAE]  }
0x31: {  	[smem:$0x3FB7] =	sst s10  }
0x32: {  	s10 =	sld [smem:$0x3FB5];
	_ =	sdelay $0x3  }
0x33: {  	p0 =	seq.s32 s10, $0x1;
	s10 =	sld [smem:$0x3FB7];
	_ =	sdelay $0x3  }
0x34: {  	[smem:$0x3FB7] =	sst s10  }
0x35: {  	s10 =	sld [smem:$0x3FB6];
	_ =	sdelay $0x3  }
0x36: {  	p1 =	seq.s32 s10, $0x1;
	s10 =	sld [smem:$0x3FB7];
	_ =	sdelay $0x3  }
0x37: {  	[smem:$0x3FB7] =	sst s10  }
0x38: {  	s10 =	sld [smem:$0x3FB8]  }
0x39: {  	_ = 	snop;
	(pc) =	sbr.ind lr, $3  }
0x3a: {  	_ = 	snop  }
0x3b: {  	_ = 	snop  }
0x3c: {  	p2 =	seq.s32 s10, $0x1;
	s10 =	sld [smem:$0x3FB7]  }
0x3d: {  	_ =	shalt  }
0x3e: {  	_ =	shalt  }
0x3f: {  	_ =	shalt  }
0x40: {  	_ =	shalt  }
0x41: {  	_ =	shalt  }
0x42: {  	_ =	shalt  }
0x43: {  	_ =	shalt  }
0x44: {  	_ =	shalt  }
0x45: {  	_ =	shalt  }
0x46: {  	_ =	shalt  }
0x47: {  	_ =	shalt  }
0x48: {  	_ =	shalt  }
0x49: {  	_ =	shalt  }
0x4a: {  	_ =	shalt  }
0x4b: {  	_ =	shalt  }
0x4c: {  	_ =	shalt  }
0x4d: {  	_ =	shalt  }
0x4e: {  	_ =	shalt  }
0x4f: {  	_ =	shalt  }
0x50: {  	_ =	shalt  }
0x51: {  	_ =	shalt  }
0x52: {  	_ =	shalt  }
0x53: {  	_ =	shalt  }
0x54: {  	_ =	shalt  }
0x55: {  	_ =	shalt  }
0x56: {  	_ =	shalt  }
0x57: {  	_ =	shalt  }
0x58: {  	_ =	shalt  }
0x59: {  	_ =	shalt  }
0x5a: {  	_ =	shalt  }
0x5b: {  	_ =	shalt  }
0x5c: {  	_ =	shalt  }
0x5d: {  	_ =	shalt  }
0x5e: {  	_ =	shalt  }
0x5f: {  	_ =	shalt  }
0x60: {  	_ =	shalt  }
0x61: {  	_ =	shalt  }
0x62: {  	_ =	shalt  }
0x63: {  	_ =	shalt  }
0x64: {  	_ =	shalt  }
0x65: {  	_ =	shalt  }
0x66: {  	_ =	shalt  }
0x67: {  	_ =	shalt  }
0x68: {  	_ =	shalt  }
0x69: {  	_ =	shalt  }
0x6a: {  	_ =	shalt  }
0x6b: {  	_ =	shalt  }
0x6c: {  	_ =	shalt  }
0x6d: {  	_ =	shalt  }
0x6e: {  	_ =	shalt  }
0x6f: {  	_ =	shalt  }
0x70: {  	_ =	shalt  }
0x71: {  	_ =	shalt  }
0x72: {  	_ =	shalt  }
0x73: {  	_ =	shalt  }
0x74: {  	_ =	shalt  }
0x75: {  	_ =	shalt  }
0x76: {  	_ =	shalt  }
0x77: {  	_ =	shalt  }
0x78: {  	_ =	shalt  }
0x79: {  	_ =	shalt  }
0x7a: {  	_ =	shalt  }
0x7b: {  	_ =	shalt  }
0x7c: {  	_ =	shalt  }
0x7d: {  	_ =	shalt  }
0x7e: {  	_ =	shalt  }
0x7f: {  	_ =	shalt  }
0x80: {  	_ =	shalt  }
0x81: {  	_ =	shalt  }
0x82: {  	_ =	shalt  }
0x83: {  	_ =	shalt  }
0x84: {  	_ =	shalt  }
0x85: {  	_ =	shalt  }
0x86: {  	_ =	shalt  }
0x87: {  	_ =	shalt  }
.Lfunc_end0:
.L_simem_size_0:
called_computation_lowered:
.L_overlay_start_0:
0x88: {  	s2 =	sld [smem:$0x3FD9]  }
0x89: {  	s3 =	sld [smem:$0x3FFE];
	_ =	sdelay $0x1  }
0x8a: {  	s1 =	srdreg.scid  }
0x8b: {  	s0 =	sand.u32 $0x1, s1  }
0x8c: {  	s17 =	sshll.u32 s0, $0xA;
	s2 =	sadd.s32 s3, s2  }
0x8d: {  	s2 =	sadd.s32 s2, s17  }
0x8e: {  	[smem:$0x3FC3] =	sst s2  }
0x8f: {  	_ = 	snop  }
0x90: {  	s2 =	sld [smem:$0x3FC9]  }
0x91: {  	s18 =	sld [smem:$0x3FC8]  }
0x92: {  	s4 =	sld [smem:$0x3FC7]  }
0x93: {  	s5 =	sld [smem:$0x3FC5]  }
0x94: {  	s6 =	sld [smem:$0x3FD0];
	(tm) =	ssettm $0x1  }
0x95: {  	s7 =	sld [smem:$0x3FFB];
	_ =	sdelay $0x3  }
0x96: {  	_ =	strace s7  }
0x97: {  	s7 =	sld [smem:$0x3FFC];
	_ =	sdelay $0x3  }
0x98: {  	_ =	strace s7  }
0x99: {  	s7 =	sld [smem:$0x3FFD];
	_ =	sdelay $0x3  }
0x9a: {  	_ =	strace s7  }
0x9b: {  	_ =	strace $0x8FFFFFFF  }
0x9c: {  	s19 =	sld [smem:$0x3FDB];
	_ =	sdelay $0x1  }
0x9d: {  	s8 =	simm.s32 $_scs_section_size  }
0x9e: {  	s9 =	simm.s32 $_size__tile_overlayer_lowered;
	s10 =	simm.s32 $_tile_overlayer_lowered  }
0x9f: {  	s22 =	simm.s32 $0x1BFF;
	s21 =	sshll.u32 s10, $0x1;
	s7 =	sadd.s32 s8, s19  }
0xa0: {  	s11 =	simm.s32 $0x0;
	s20 =	sshll.u32 s9, $0x1;
	s9 =	sadd.s32 s21, s7  }
0xa1: {  	[timem:s11], [sflag:s22] =	dma.local [hbm:s9], s20  }
0xa2: {  	_ =	swait.ge [sflag:s22], s20  }
0xa3: {  	s8 =	ssub.s32 $0x0, s20;
	[sflag:s22] =	ssyncset.done $0x0  }
0xa4: {  	[sflag:s22] =	ssyncadd.s32 s8;
	_ =	sdelay $0x1  }
0xa5: {  	s23 =	simm.s32 $0x1B8B  }
0xa6: {  	_ =	swait.ge [sflag:s23], $0x1  }
0xa7: {  	[sflag:s23] =	ssyncset.done $0x0  }
0xa8: {  	s25 =	simm.s32 $0x1B8E;
	s24 =	sld [smem:$0x3FFE];
	[sflag:s23] =	ssyncadd.s32 $0xFFFFFFFF  }
0xa9: {  	s26 =	simm.s32 $execute0_lowered;
	[smem:$0x3FD2] =	sst s25  }
0xaa: {  	s9 =	sshll.u32 s26, $0x1;
	_ =	strace $0x80000046;
	[dreg:$0x1] =	wrdreg $0xFFFFFFFF  }
0xab: {  	s28 =	simm.s32 $_size_execute0_lowered;
	s7 =	sadd.s32 s7, s9;
	[dreg:$0x0] =	wrdreg $0x0  }
0xac: {  	s9 =	sshll.u32 s28, $0x1;
	[dreg:$0x2] =	wrdreg s7  }
0xad: {  	[dreg:$0x3] =	wrdreg s9  }
0xae: {  	[dreg:$0x4] =	wrdreg $0xC0  }
0xaf: {  	_ =	task [dreg:s11], $0x5FFFF  }
0xb0: {  	[dreg:$0x1] =	wrdreg $0xFFFFFFFF  }
0xb1: {  	[dreg:$0x0] =	wrdreg $0x60  }
0xb2: {  	[dreg:$0x2] =	wrdreg s2  }
0xb3: {  	[dreg:$0x3] =	wrdreg s18  }
0xb4: {  	[dreg:$0x4] =	wrdreg s4  }
0xb5: {  	[dreg:$0x5] =	wrdreg s6  }
0xb6: {  	[dreg:$0x6] =	wrdreg s5  }
0xb7: {  	[dreg:$0x7] =	wrdreg s24  }
0xb8: {  	[dreg:$0x8] =	wrdreg $0x9  }
0xb9: {  	_ =	task.clear_ibuf [dreg:s11], $0x9FFFF;
	_ =	strace $0x90000046  }
0xba: {  	s29 =	simm.s32 $0x9;
	_ =	strace $0x80000048  }
0xbb: {  	_ =	swait.ge [sflag:s29], $0x1  }
0xbc: {  	[sflag:s29] =	ssyncadd.s32 $0xFFFFFFFF  }
0xbd: {  	_ =	strace $0x90000048  }
0xbe: {  	_ =	sfence  }
0xbf: {  	s30 =	sld [smem:$0x0];
	_ =	sdelay $0x2  }
0xc0: {  	s31 =	sshll.u32 s1, $0xD;
	s1 =	sshrl.u32 s1, $0x2  }
0xc1: {  	s3 =	sand.u32 $0x4000, s31;
	s1 =	sadd.s32 s1, s30  }
0xc2: {  	s0 =	sor.u32 s3, s0;
	s1 =	sshll.u32 s1, $0x11  }
0xc3: {  	s0 =	sor.u32 s1, s0  }
0xc4: {  	s0 =	sadd.s32 $0x8F2B, s0  }
0xc5: {  	[sflag:s0] =	ssyncadd.remote.s32 $0x1  }
0xc6: {  	_ =	sfence.sel $0xFFFF  }
0xc7: {  	[dreg:$0x0] =	wrdreg $0xFFFFFFFF;
	(pc) =	sbr.abs _section_cstart, $3  }
0xc8: {  	[dreg:$0x1] =	wrdreg $0xFFFFFFFF  }
0xc9: {  	_ =	task.clear_ibuf [dreg:s11], $0x2FFFF;
	_ =	strace $0x9FFFFFFF  }
0xca: {  	(tm) =	ssettm $0x7FFFFFFF  }
0xcb: {  	_ =	shalt  }
tec
execute0_lowered:
.L_overlay_start_1:
0x0: {  	(tag) =	ssettag $0x1  }
0x1: {  	s5 =	rddreg [dreg:$0x0]  }
0x2: {  	s6 =	rddreg [dreg:$0x1]  }
0x3: {  	s7 =	rddreg [dreg:$0x2]  }
0x4: {  	s1 =	rddreg [dreg:$0x3]  }
0x5: {  	s3 =	rddreg [dreg:$0x4]  }
0x6: {  	s8 =	rddreg [dreg:$0x5];
	s4 =	srdreg.scid  }
0x7: {  	s0 =	rddreg [dreg:$0x6];
	s2 =	stileid.u32;
	s12 =	simm.s32 $0x8D00  }
0x8: {  	s13 =	simm.s32 $0x9500;
	s14 =	simm.s32 $0x1;
	s15 =	simm.s32 $0x4000  }
0x9: {  	s16 =	simm.s32 $0x80000;
	s17 =	simm.s32 $0xB500;
	s18 =	simm.s32 $0x2  }
0xa: {  	s19 =	simm.s32 $0x0;
	s9 =	sand.u32 $0x1, s4;
	s4 =	simm.s32 $0x0  }
0xb: {  	s10 =	sshll.u32 s2, $0xC;
	s11 =	sshll.u32 s9, $0xB;
	[smem:$0x7FF] =	sst s4  }
0xc: {  	s9 =	ssub.s32 $0x2, s9;
	s10 =	sor.u32 s11, s10;
	_ =	strace $0x80000047  }
0xd: {  	s30 =	sshrl.u32 s9, $0x1;
	s11 =	simm.s32 $0x8500;
	s8 =	sadd.s32 s10, s8  }
0xe: {  	s9 =	ssub.s32 s9, s30;
	s31 =	sshrl.u32 s10, $0x3;
	s10 =	sshrl.u32 s10, $0x1  }
0xf: {  	s5 =	sadd.s32 s5, s31;
	s6 =	sadd.s32 s6, s31;
	s7 =	sadd.s32 s7, s10  }
0x10: {  	v0 =	vimm.s32 $0x0;
	s8 =	sadd.s32 $0x400, s8;
	s9 =	smax.u32 s9, $0x1;
	s10 =	simm.s32 $0x8100  }
.LBB2_1:
0x11: {  	[tilespmem:s4], [sflag:$0x1] =	stream.linear.gather [hbm4b:s1+s4], $0x8100, $0x38;
	[tilespmem:$0x13500] =	vst v63  }
0x12: {  	_ = 	snop  }
0x13: {  	[tilespmem:s10], [sflag:$0x1] =	stream.linear.gather [hbm4b:s3+s4], $0x400, $0x38;
	[tilespmem:$0x13500] =	vst v63  }
0x14: {  	_ = 	snop  }
0x15: {  	[tilespmem:s11], [sflag:$0x1] =	stream.linear.gather [hbm4b:s5+s4], $0x800, $0x38;
	[tilespmem:$0x13500] =	vst v63  }
0x16: {  	_ = 	snop  }
0x17: {  	[tilespmem:s12], [sflag:$0x1] =	stream.linear.gather [hbm4b:s6+s4], $0x800, $0x38;
	[tilespmem:$0x13500] =	vst v63  }
0x18: {  	_ = 	snop  }
0x19: {  	[tilespmem:s13], [sflag:$0x1] =	stream.linear.gather [hbm4b:s7+s4], $0x2000, $0x38;
	[tilespmem:$0x13500] =	vst v63  }
0x1a: {  	_ =	swait.ge [sflag:s14], $0x8100  }
0x1b: {  	[sflag:s14] =	ssyncset.done $0x0  }
0x1c: {  	[sflag:s14] =	ssyncadd.s32 $0xFFFF7F00  }
0x1d: {  	_ =	swait.ge [sflag:s14], $0x400  }
0x1e: {  	[sflag:s14] =	ssyncset.done $0x0  }
0x1f: {  	[sflag:s14] =	ssyncadd.s32 $0xFFFFFC00  }
0x20: {  	_ =	swait.ge [sflag:s14], $0x800  }
0x21: {  	[sflag:s14] =	ssyncset.done $0x0  }
0x22: {  	[sflag:s14] =	ssyncadd.s32 $0xFFFFF800  }
0x23: {  	_ =	swait.ge [sflag:s14], $0x800  }
0x24: {  	[sflag:s14] =	ssyncset.done $0x0  }
0x25: {  	[sflag:s14] =	ssyncadd.s32 $0xFFFFF800  }
0x26: {  	s20 =	simm.s32 $0xFFFFFFF8;
	_ =	swait.ge [sflag:s14], $0x2000  }
0x27: {  	s21 =	simm.s32 $0x95C0;
	s22 =	simm.s32 $0x8D40;
	[sflag:s14] =	ssyncset.done $0x0  }
0x28: {  	s23 =	simm.s32 $0x8540;
	s24 =	simm.s32 $0xB500;
	[sflag:s14] =	ssyncadd.s32 $0xFFFFE000  }
.LBB2_2:
0x29: {  	v4 =	vld [tilespmem:s23+$0xFFFFFFC0];
	_ =	sdelay $0x4  }
0x2a: {  	v1 =	vadd.s32 $0x4200, v4;
	_ =	sdelay $0x3  }
0x2b: {  	v3 =	vld [tilespmem:s22+$0xFFFFFFC0]  }
0x2c: {  	v1 =	vld.idx.msk [tilespmem:v1+s4+$0x0], $0xffff;
	_ =	sdelay $0x4  }
0x2d: {  	vm0 =	vlt.f32 v1, v3  }
0x2e: {  	v1 =	vsel vm0, $0x200, v0  }
0x2f: {  	v2 =	vor.u32 $0x100, v1  }
0x30: {  	v5 =	vmul.u32 $0x21, v2;
	_ =	sdelay $0x1  }
0x31: {  	v5 =	vadd.s32 v4, v5;
	_ =	sdelay $0x4  }
0x32: {  	v5 =	vld.idx.msk [tilespmem:v5+s4+$0x0], $0xffff;
	_ =	sdelay $0x4  }
0x33: {  	vm6 =	vlt.f32 v5, v3  }
0x34: {  	v1 =	vsel vm6, v2, v1  }
0x35: {  	v2 =	vor.u32 $0x80, v1  }
0x36: {  	v22 =	vmul.u32 $0x21, v2;
	_ =	sdelay $0x1  }
0x37: {  	v5 =	vadd.s32 v4, v22;
	_ =	sdelay $0x4  }
0x38: {  	v5 =	vld.idx.msk [tilespmem:v5+s4+$0x0], $0xffff;
	_ =	sdelay $0x4  }
0x39: {  	vm7 =	vlt.f32 v5, v3  }
0x3a: {  	v5 =	vsel vm7, v2, v1  }
0x3b: {  	v2 =	vld [tilespmem:s23+$0xFFFFFFD0];
	v6 =	vor.u32 $0x40, v5  }
0x3c: {  	v1 =	vmul.u32 $0x21, v6;
	_ =	sdelay $0x1  }
0x3d: {  	v1 =	vadd.s32 v4, v1;
	_ =	sdelay $0x1  }
0x3e: {  	v7 =	vadd.s32 $0x4200, v2;
	_ =	sdelay $0x2  }
0x3f: {  	v8 =	vld.idx.msk [tilespmem:v1+s4+$0x0], $0xffff  }
0x40: {  	v1 =	vld [tilespmem:s22+$0xFFFFFFD0]  }
0x41: {  	v7 =	vld.idx.msk [tilespmem:v7+s4+$0x0], $0xffff;
	_ =	sdelay $0x2  }
0x42: {  	vm8 =	vlt.f32 v8, v3  }
0x43: {  	v5 =	vsel vm8, v6, v5  }
0x44: {  	vm9 =	vlt.f32 v7, v1;
	v6 =	vadd.s32 $0x20, v5  }
0x45: {  	v25 =	vsel vm9, $0x200, v0;
	v23 =	vmul.u32 $0x21, v6  }
0x46: {  	v9 =	vor.u32 $0x100, v25  }
0x47: {  	v10 =	vmul.u32 $0x21, v9;
	v24 =	vadd.s32 v4, v23;
	_ =	sdelay $0x1  }
0x48: {  	v10 =	vadd.s32 v2, v10;
	_ =	sdelay $0x2  }
0x49: {  	v7 =	vld.idx.msk [tilespmem:v24+s4+$0x0], $0xffff;
	_ =	sdelay $0x1  }
0x4a: {  	v10 =	vld.idx.msk [tilespmem:v10+s4+$0x0], $0xffff;
	_ =	sdelay $0x2  }
0x4b: {  	vm10 =	vlt.f32 v7, v3  }
0x4c: {  	v5 =	vsel vm10, v6, v5  }
0x4d: {  	vm11 =	vlt.f32 v10, v1;
	v6 =	vadd.s32 $0x10, v5  }
0x4e: {  	v8 =	vsel vm11, v9, v25;
	v26 =	vmin.u32 v6, $0x3E7  }
0x4f: {  	v9 =	vor.u32 $0x80, v8;
	v7 =	vmul.u32 $0x21, v26  }
0x50: {  	v27 =	vmul.u32 $0x21, v9  }
0x51: {  	v7 =	vadd.s32 v4, v7  }
0x52: {  	v10 =	vadd.s32 v2, v27;
	_ =	sdelay $0x3  }
0x53: {  	v7 =	vld.idx.msk [tilespmem:v7+s4+$0x0], $0xffff  }
0x54: {  	v10 =	vld.idx.msk [tilespmem:v10+s4+$0x0], $0xffff;
	_ =	sdelay $0x3  }
0x55: {  	vm12 =	vlt.u32 v5, $0x3D8;
	vm1 =	vlt.f32 v7, v3  }
0x56: {  	vm13 =	vlt.f32 v10, v1;
	vm0 =	vmand vm1, vm12  }
0x57: {  	v8 =	vsel vm13, v9, v8;
	v5 =	vsel vm0, v6, v5  }
0x58: {  	v9 =	vor.u32 $0x40, v8;
	v28 =	vadd.s32 $0x8, v5  }
0x59: {  	v30 =	vmul.u32 $0x21, v9;
	v29 =	vmin.u32 v28, $0x3E7  }
0x5a: {  	v6 =	vmul.u32 $0x21, v29  }
0x5b: {  	v10 =	vadd.s32 v2, v30  }
0x5c: {  	v6 =	vadd.s32 v4, v6;
	_ =	sdelay $0x3  }
0x5d: {  	v10 =	vld.idx.msk [tilespmem:v10+s4+$0x0], $0xffff  }
0x5e: {  	v11 =	vld.idx.msk [tilespmem:v6+s4+$0x0], $0xffff  }
0x5f: {  	v6 =	vld [tilespmem:s23+$0xFFFFFFE0];
	_ =	sdelay $0x2  }
0x60: {  	vm4 =	vlt.f32 v10, v1  }
0x61: {  	vm14 =	vlt.u32 v5, $0x3E0;
	v31 =	vsel vm4, v9, v8;
	vm15 =	vlt.f32 v11, v3  }
0x62: {  	v9 =	vadd.s32 $0x20, v31;
	v33 =	vadd.s32 $0x4200, v6;
	vm0 =	vmand vm15, vm14  }
0x63: {  	v12 =	vmul.u32 $0x21, v9;
	v5 =	vsel vm0, v28, v5  }
0x64: {  	v32 =	vadd.s32 $0x4, v5  }
0x65: {  	v12 =	vadd.s32 v2, v12;
	v34 =	vmin.u32 v32, $0x3E7  }
0x66: {  	v10 =	vmul.u32 $0x21, v34  }
0x67: {  	v11 =	vld.idx.msk [tilespmem:v33+s4+$0x0], $0xffff  }
0x68: {  	v13 =	vadd.s32 v4, v10;
	v10 =	vld [tilespmem:s22+$0xFFFFFFE0];
	_ =	sdelay $0x1  }
0x69: {  	v12 =	vld.idx.msk [tilespmem:v12+s4+$0x0], $0xffff;
	_ =	sdelay $0x2  }
0x6a: {  	vm5 =	vlt.f32 v11, v10  }
0x6b: {  	v13 =	vld.idx.msk [tilespmem:v13+s4+$0x0], $0xffff;
	v11 =	vsel vm5, $0x200, v0  }
0x6c: {  	vm6 =	vlt.f32 v12, v1;
	v14 =	vor.u32 $0x100, v11  }
0x6d: {  	v7 =	vsel vm6, v9, v31;
	v35 =	vmul.u32 $0x21, v14  }
0x6e: {  	v9 =	vadd.s32 $0x10, v7  }
0x6f: {  	v36 =	vmin.u32 v9, $0x3E7;
	v12 =	vadd.s32 v6, v35  }
0x70: {  	vm7 =	vlt.u32 v5, $0x3E4;
	vm8 =	vlt.f32 v13, v3;
	v8 =	vmul.u32 $0x21, v36  }
0x71: {  	vm0 =	vmand vm8, vm7  }
0x72: {  	v5 =	vsel vm0, v32, v5;
	v8 =	vadd.s32 v2, v8  }
0x73: {  	v37 =	vadd.s32 $0x2, v5  }
0x74: {  	v15 =	vmin.u32 v37, $0x3E7;
	v12 =	vld.idx.msk [tilespmem:v12+s4+$0x0], $0xffff  }
0x75: {  	v15 =	vmul.u32 $0x21, v15;
	_ =	sdelay $0x1  }
0x76: {  	v15 =	vadd.s32 v4, v15;
	v8 =	vld.idx.msk [tilespmem:v8+s4+$0x0], $0xffff;
	_ =	sdelay $0x1  }
0x77: {  	vm9 =	vlt.f32 v12, v10  }
0x78: {  	v11 =	vsel vm9, v14, v11  }
0x79: {  	v14 =	vor.u32 $0x80, v11  }
0x7a: {  	vm10 =	vlt.u32 v7, $0x3D8;
	v38 =	vld.idx.msk [tilespmem:v15+s4+$0x0], $0xffff;
	vm11 =	vlt.f32 v8, v1;
	v39 =	vmul.u32 $0x21, v14  }
0x7b: {  	vm0 =	vmand vm11, vm10  }
0x7c: {  	v7 =	vsel vm0, v9, v7;
	v40 =	vadd.s32 v6, v39  }
0x7d: {  	v9 =	vadd.s32 $0x8, v7  }
0x7e: {  	v41 =	vmin.u32 v9, $0x3E7  }
0x7f: {  	vm12 =	vlt.u32 v5, $0x3E6;
	vm13 =	vlt.f32 v38, v3;
	v12 =	vmul.u32 $0x21, v41  }
0x80: {  	vm0 =	vmand vm13, vm12  }
0x81: {  	v5 =	vsel vm0, v37, v5;
	v12 =	vadd.s32 v2, v12;
	v8 =	vld.idx.msk [tilespmem:v40+s4+$0x0], $0xffff  }
0x82: {  	v13 =	vadd.s32 $0x1, v5  }
0x83: {  	v42 =	vmin.u32 v13, $0x3E7  }
0x84: {  	v15 =	vmul.u32 $0x21, v42  }
0x85: {  	v26 =	vld [tilespmem:s23+$0xFFFFFFF0]  }
0x86: {  	v15 =	vadd.s32 v4, v15;
	v43 =	vld.idx.msk [tilespmem:v12+s4+$0x0], $0xffff;
	vm14 =	vlt.f32 v8, v10  }
0x87: {  	v11 =	vsel vm14, v14, v11  }
0x88: {  	v16 =	vld [tilespmem:s21+$0xFFFFFF40];
	v44 =	vor.u32 $0x40, v11  }
0x89: {  	v17 =	vld [tilespmem:s21+$0xFFFFFFC0];
	v46 =	vmul.u32 $0x21, v44  }
0x8a: {  	v47 =	vld [tilespmem:s21+$0x40];
	v22 =	vadd.s32 $0x4200, v26  }
0x8b: {  	vm15 =	vlt.u32 v7, $0x3E0;
	v45 =	vld.idx.msk [tilespmem:v15+s4+$0x0], $0xffff;
	vm4 =	vlt.f32 v43, v1;
	v15 =	vadd.s32 v6, v46  }
0x8c: {  	vm0 =	vmand vm4, vm15  }
0x8d: {  	v7 =	vsel vm0, v9, v7  }
0x8e: {  	v25 =	vld [tilespmem:s22+$0xFFFFFFF0];
	v9 =	vadd.s32 $0x4, v7  }
0x8f: {  	v48 =	vmul.f32 v16, v16;
	v18 =	vmul.f32 v17, v17;
	v56 =	vld.idx.msk [tilespmem:v22+s4+$0x0], $0xffff;
	v19 =	vmin.u32 v9, $0x3E7  }
0x90: {  	v50 =	vmul.f32 v47, v47;
	v19 =	vmul.u32 $0x21, v19;
	v15 =	vld.idx.msk [tilespmem:v15+s4+$0x0], $0xffff  }
0x91: {  	v49 =	vadd.f32 v18, v48;
	vm5 =	vlt.u32 v5, $0x3E7;
	vm6 =	vlt.f32 v45, v3  }
0x92: {  	vm0 =	vmand vm6, vm5;
	v19 =	vadd.s32 v2, v19  }
0x93: {  	v5 =	vsel vm0, v13, v5;
	v13 =	vadd.f32 v50, v49  }
0x94: {  	vm10 =	vlt.f32 v56, v25  }
0x95: {  	v62 =	vsel vm10, $0x200, v0;
	v53 =	vmax.f32 v13, $1.000000000e-30;
	vm7 =	vlt.f32 v15, v10  }
0x96: {  	v54 =	vshra.s32 v53, $0x1;
	v15 =	vmul.f32 $5.000000000e-01, v53;
	v11 =	vsel vm7, v44, v11  }
0x97: {  	v51 =	vmul.u32 $0x21, v5;
	v12 =	vsub.s32 $0x5F3759DF, v54;
	v19 =	vld.idx.msk [tilespmem:v19+s4+$0x0], $0xffff;
	v55 =	vadd.s32 $0x20, v11  }
0x98: {  	v63 =	vor.u32 $0x100, v62;
	v21 =	vmul.f32 v12, v15;
	v20 =	vmul.u32 $0x21, v55  }
0x99: {  	v23 =	vmul.u32 $0x21, v63;
	v4 =	vadd.s32 v4, v51  }
0x9a: {  	v21 =	vmul.f32 v12, v21;
	v20 =	vadd.s32 v6, v20  }
0x9b: {  	v29 =	vadd.s32 v26, v23;
	v52 =	vadd.s32 $0x21, v4  }
0x9c: {  	vm8 =	vlt.u32 v7, $0x3E4;
	v21 =	vsub.f32 $1.500000000e+00, v21;
	vm9 =	vlt.f32 v19, v1  }
0x9d: {  	vm0 =	vmand vm9, vm8  }
0x9e: {  	v4 =	vld.idx.msk [tilespmem:v4+s4+$0x0], $0xffff;
	v12 =	vmul.f32 v12, v21;
	v7 =	vsel vm0, v9, v7  }
0x9f: {  	v58 =	vadd.s32 $0x2, v7;
	v57 =	vld.idx.msk [tilespmem:v20+s4+$0x0], $0xffff  }
0xa0: {  	v14 =	vld.idx.msk [tilespmem:v52+s4+$0x0], $0xffff;
	v15 =	vmul.f32 v12, v15;
	v59 =	vmin.u32 v58, $0x3E7  }
0xa1: {  	v32 =	vld.idx.msk [tilespmem:v29+s4+$0x0], $0xffff;
	v21 =	vmul.u32 $0x21, v59  }
0xa2: {  	v15 =	vmul.f32 v15, v12  }
0xa3: {  	v61 =	vadd.s32 v2, v21  }
0xa4: {  	v60 =	vadd.s32 $0x1, v5;
	v15 =	vsub.f32 $1.500000000e+00, v15;
	vm11 =	vlt.f32 v57, v10  }
0xa5: {  	v14 =	vsub.f32 v14, v4;
	v18 =	vsel vm11, v55, v11  }
0xa6: {  	vm14 =	vlt.f32 v32, v25;
	v12 =	vmul.f32 v15, v12;
	v24 =	vadd.s32 $0x10, v18  }
0xa7: {  	v39 =	vsel vm14, v63, v62;
	v5 =	vld.idx.msk [tilespmem:v5+s10+$0x0], $0xffff;
	v14 =	vmax.f32 v14, $1.000000010e-10;
	v27 =	vmin.u32 v24, $0x3E7  }
0xa8: {  	(erf) = vrcp.f32 v14;
	v12 =	vmul.f32 v12, v13;
	v30 =	vld.idx.msk [tilespmem:v61+s4+$0x0], $0xffff;
	v14 =	vmul.u32 $0x21, v27  }
0xa9: {  	v40 =	vor.u32 $0x80, v39;
	v28 =	vld.idx.msk [tilespmem:v60+s10+$0x0], $0xffff  }
0xaa: {  	v41 =	vmul.u32 $0x21, v40;
	v12 =	vadd.f32 $1.000000010e-07, v12;
	v14 =	vadd.s32 v6, v14;
	_ =	sdelay $0x1  }
0xab: {  	v44 =	vadd.s32 v26, v41;
	(erf) = vrcp.f32 v12  }
0xac: {  	vm12 =	vlt.u32 v7, $0x3E6;
	vm13 =	vlt.f32 v30, v1  }
0xad: {  	v31 =	vsub.f32 v28, v5;
	v3 =	vsub.f32 v3, v4;
	vm0 =	vmand vm13, vm12  }
0xae: {  	v35 =	vsel vm0, v58, v7;
	v33 =	vld.idx.msk [tilespmem:v14+s4+$0x0], $0xffff  }
0xaf: {  	v3 =	vmul.f32 v31, v3;
	v36 =	vadd.s32 $0x1, v35  }
0xb0: {  	v22 =	vld.idx.msk [tilespmem:v44+s4+$0x0], $0xffff;
	v34 =	vpop (erf);
	v37 =	vmin.u32 v36, $0x3E7  }
0xb1: {  	v12 =	vld [tilespmem:s21+$0xFFFFFFD0];
	v3 =	vmul.f32 v3, v34;
	v38 =	vmul.u32 $0x21, v37  }
0xb2: {  	v11 =	vld [tilespmem:s21+$0xFFFFFF50];
	vm15 =	vlt.u32 v18, $0x3D8  }
0xb3: {  	v3 =	vadd.f32 v3, v5;
	v5 =	vadd.s32 v2, v38;
	vm4 =	vlt.f32 v33, v10  }
0xb4: {  	v13 =	vld [tilespmem:s21+$0x50];
	v42 =	vpop (erf);
	vm0 =	vmand vm4, vm15  }
0xb5: {  	vm7 =	vlt.f32 v22, v25;
	v43 =	vmul.f32 v42, v3;
	v18 =	vsel vm0, v24, v18  }
0xb6: {  	v19 =	vsel vm7, v40, v39;
	v48 =	vmul.f32 v12, v12;
	v21 =	vadd.s32 $0x8, v18  }
0xb7: {  	v4 =	vmul.f32 v43, v47;
	v47 =	vmul.f32 v11, v11;
	v3 =	vmin.u32 v21, $0x3E7  }
0xb8: {  	v55 =	vor.u32 $0x40, v19;
	v46 =	vld.idx.msk [tilespmem:v5+s4+$0x0], $0xffff;
	v45 =	vmul.u32 $0x21, v3  }
0xb9: {  	v29 =	vmul.u32 $0x21, v55;
	v24 =	vmul.f32 v13, v13;
	v49 =	vadd.f32 v48, v47  }
0xba: {  	v7 =	vmul.f32 v43, v16;
	v16 =	vadd.s32 v6, v45  }
0xbb: {  	v58 =	vadd.s32 v26, v29;
	v3 =	vmul.f32 v43, v17;
	v50 =	vadd.f32 v24, v49  }
0xbc: {  	vm5 =	vlt.u32 v35, $0x3E7;
	v5 =	vmul.f32 v7, v7;
	v8 =	vmul.f32 v4, v4  }
0xbd: {  	v27 =	vmul.f32 v3, v3;
	vm6 =	vlt.f32 v46, v1;
	v52 =	vmax.f32 v50, $1.000000000e-30  }
0xbe: {  	vm0 =	vmand vm6, vm5;
	v53 =	vshra.s32 v52, $0x1;
	v15 =	vmul.f32 $5.000000000e-01, v52  }
0xbf: {  	v9 =	vadd.f32 v27, v5;
	v14 =	vsel vm0, v36, v35;
	v22 =	vsub.s32 $0x5F3759DF, v53;
	v16 =	vld.idx.msk [tilespmem:v16+s4+$0x0], $0xffff  }
0xc0: {  	v54 =	vmul.u32 $0x21, v14;
	v56 =	vmul.f32 v22, v15  }
0xc1: {  	v51 =	vadd.f32 v9, v8  }
0xc2: {  	v2 =	vadd.s32 v2, v54;
	v57 =	vmul.f32 v22, v56  }
0xc3: {  	v20 =	vld.idx.msk [tilespmem:v58+s4+$0x0], $0xffff;
	v28 =	vmul.f32 $2.500000000e-01, v51;
	v60 =	vadd.s32 $0x21, v2  }
0xc4: {  	vm9 =	vlt.f32 v16, v10;
	v16 =	vsub.f32 $1.500000000e+00, v57  }
0xc5: {  	vm8 =	vlt.u32 v18, $0x3E0;
	v59 =	vmul.f32 $1.990768220e-09, v28  }
0xc6: {  	vm0 =	vmand vm9, vm8;
	v16 =	vmul.f32 v22, v16  }
0xc7: {  	v30 =	vmul.f32 $2.388949840e-08, v28;
	v23 =	vadd.f32 $-2.752468330e-07, v59;
	v18 =	vsel vm0, v21, v18;
	v2 =	vld.idx.msk [tilespmem:v2+s4+$0x0], $0xffff  }
0xc8: {  	vm10 =	vlt.f32 v20, v25;
	v21 =	vadd.s32 $0x4, v18;
	v29 =	vld.idx.msk [tilespmem:v60+s4+$0x0], $0xffff;
	v15 =	vmul.f32 v16, v15  }
0xc9: {  	v30 =	vsub.f32 $2.752528640e-06, v30;
	v23 =	vmul.f32 v23, v28;
	v31 =	vmin.u32 v21, $0x3E7  }
0xca: {  	v19 =	vsel vm10, v55, v19;
	v61 =	vmul.u32 $0x21, v31;
	v15 =	vmul.f32 v15, v16  }
0xcb: {  	v32 =	vadd.s32 $0x1, v14;
	v30 =	vmul.f32 v30, v28;
	v23 =	vadd.f32 $2.480104010e-05, v23  }
0xcc: {  	v34 =	vadd.s32 $0x20, v19;
	v22 =	vadd.s32 v6, v61;
	v15 =	vsub.f32 $1.500000000e+00, v15  }
0xcd: {  	v30 =	vadd.f32 $-1.984086120e-04, v30;
	v62 =	vmul.f32 v23, v28;
	v23 =	vld [tilespmem:s23+$0x0];
	v29 =	vsub.f32 v29, v2  }
0xce: {  	v35 =	vmul.u32 $0x21, v34;
	v15 =	vmul.f32 v15, v16  }
0xcf: {  	v14 =	vld.idx.msk [tilespmem:v14+s10+$0x0], $0xffff;
	v33 =	vmul.f32 v30, v28;
	v63 =	vadd.f32 $-1.388888460e-03, v62;
	v29 =	vmax.f32 v29, $1.000000010e-10  }
0xd0: {  	v37 =	vld.idx.msk [tilespmem:v32+s10+$0x0], $0xffff;
	v30 =	vadd.s32 v26, v35;
	(erf) = vrcp.f32 v29;
	v15 =	vmul.f32 v15, v50  }
0xd1: {  	v24 =	vadd.f32 $8.333330970e-03, v33;
	v20 =	vmul.f32 v63, v28;
	v22 =	vld.idx.msk [tilespmem:v22+s4+$0x0], $0xffff  }
0xd2: {  	v36 =	vadd.s32 $0x4200, v23;
	v15 =	vadd.f32 $1.000000010e-07, v15  }
0xd3: {  	v38 =	vmul.f32 v24, v28;
	v20 =	vadd.f32 $4.166666790e-02, v20  }
0xd4: {  	(erf) = vrcp.f32 v15  }
0xd5: {  	vm11 =	vlt.u32 v18, $0x3E4;
	v42 =	vld.idx.msk [tilespmem:v30+s4+$0x0], $0xffff;
	v39 =	vadd.f32 $-1.666666720e-01, v38;
	v20 =	vmul.f32 v20, v28  }
0xd6: {  	v1 =	vsub.f32 v1, v2;
	v2 =	vsub.f32 v37, v14;
	vm12 =	vlt.f32 v22, v10  }
0xd7: {  	v20 =	vadd.f32 $-5.000000000e-01, v20;
	v17 =	vld.idx.msk [tilespmem:v36+s4+$0x0], $0xffff;
	v15 =	vmul.f32 v39, v28;
	vm0 =	vmand vm12, vm11  }
0xd8: {  	v1 =	vmul.f32 v2, v1;
	v21 =	vsel vm0, v21, v18;
	v18 =	vld [tilespmem:s22+$0x0]  }
0xd9: {  	v20 =	vmul.f32 v20, v28;
	v2 =	vadd.f32 $1.000000000e+00, v15;
	v40 =	vadd.s32 $0x2, v21;
	v43 =	vpop (erf)  }
0xda: {  	vm14 =	vlt.f32 v42, v25;
	v41 =	vmin.u32 v40, $0x3E7;
	v1 =	vmul.f32 v1, v43  }
0xdb: {  	v45 =	vsel vm14, v34, v19;
	v20 =	vadd.f32 $1.000000000e+00, v20;
	v24 =	vmul.u32 $0x21, v41  }
0xdc: {  	v47 =	vadd.s32 $0x10, v45;
	v44 =	vmul.f32 v2, v2;
	v1 =	vadd.f32 v1, v14  }
0xdd: {  	v29 =	vmul.f32 v20, v2;
	v24 =	vadd.s32 v6, v24;
	vm13 =	vlt.f32 v17, v18;
	v2 =	vpop (erf)  }
0xde: {  	v49 =	vmin.u32 v47, $0x3E7;
	v17 =	vsel vm13, $0x200, v0;
	v1 =	vmul.f32 v2, v1  }
0xdf: {  	v51 =	vmul.u32 $0x21, v49;
	v46 =	vor.u32 $0x100, v17  }
0xe0: {  	v48 =	vmul.u32 $0x21, v46;
	v15 =	vmul.f32 v1, v11  }
0xe1: {  	v12 =	vmul.f32 v1, v12;
	v11 =	vmul.f32 v1, v13;
	v1 =	vadd.s32 v26, v51  }
0xe2: {  	v50 =	vmul.f32 v3, v7;
	v20 =	vmul.f32 $5.000000000e-01, v44;
	v2 =	vld.idx.msk [tilespmem:v24+s4+$0x0], $0xffff;
	v52 =	vadd.s32 v23, v48  }
0xe3: {  	v5 =	vadd.f32 v8, v5;
	v33 =	vmul.f32 v4, v7;
	v39 =	vmul.f32 v4, v3;
	v24 =	vld [tilespmem:s23+$0x10]  }
0xe4: {  	v34 =	vadd.f32 v8, v27;
	v31 =	vmul.f32 v20, v50;
	v35 =	vmul.f32 v29, v4  }
0xe5: {  	vm6 =	vlt.u32 v45, $0x3D8;
	v13 =	vmul.f32 v15, v15;
	v16 =	vmul.f32 v12, v12  }
0xe6: {  	vm15 =	vlt.u32 v21, $0x3E6;
	v33 =	vmul.f32 v20, v33;
	v14 =	vmul.f32 v11, v11;
	v37 =	vld.idx.msk [tilespmem:v1+s4+$0x0], $0xffff  }
0xe7: {  	v27 =	vadd.f32 v16, v13;
	v1 =	vmul.f32 v20, v34;
	vm4 =	vlt.f32 v2, v10;
	v32 =	vld.idx.msk [tilespmem:v52+s4+$0x0], $0xffff  }
0xe8: {  	v34 =	vmul.f32 v29, v3;
	v38 =	vadd.s32 $0x4200, v24;
	vm0 =	vmand vm4, vm15  }
0xe9: {  	v53 =	vadd.f32 v27, v14;
	[tilespmem:$0x1FF60] =	vst v1;
	v1 =	vsub.f32 v31, v35;
	v21 =	vsel vm0, v40, v21  }
0xea: {  	v39 =	vmul.f32 v20, v39;
	v29 =	vmul.f32 v29, v7;
	v36 =	vadd.s32 $0x1, v21  }
0xeb: {  	v30 =	vld [tilespmem:s21+$0xFFFFFFE0];
	v22 =	vmul.f32 $2.500000000e-01, v53;
	[tilespmem:$0x1FF70] =	vst v1;
	v1 =	vadd.f32 v34, v33;
	v54 =	vmin.u32 v36, $0x3E7  }
0xec: {  	v19 =	vld [tilespmem:s22+$0x10];
	vm7 =	vlt.f32 v37, v25;
	v4 =	vmul.u32 $0x21, v54;
	vm5 =	vlt.f32 v32, v18  }
0xed: {  	vm9 =	vlt.u32 v21, $0x3E7;
	v38 =	vld.idx.msk [tilespmem:v38+s4+$0x0], $0xffff;
	vm0 =	vmand vm7, vm6;
	v41 =	vsel vm5, v46, v17  }
0xee: {  	v58 =	vsel vm0, v47, v45;
	v40 =	vadd.s32 v6, v4;
	v56 =	vor.u32 $0x80, v41  }
0xef: {  	v55 =	vmul.f32 $2.388949840e-08, v22;
	v17 =	vld [tilespmem:s21+$0xFFFFFF60];
	v60 =	vadd.s32 $0x8, v58;
	v42 =	vmul.u32 $0x21, v56  }
0xf0: {  	v59 =	vmul.f32 $1.990768220e-09, v22;
	[tilespmem:$0x1FF80] =	vst v1;
	v1 =	vadd.f32 v35, v31;
	v62 =	vmin.u32 v60, $0x3E7  }
0xf1: {  	v28 =	vld [tilespmem:s21+$0x60];
	v57 =	vsub.f32 $2.752528640e-06, v55;
	v31 =	vmul.u32 $0x21, v62;
	v42 =	vadd.s32 v23, v42  }
0xf2: {  	v43 =	vadd.f32 $-2.752468330e-07, v59;
	v47 =	vmul.f32 v30, v30;
	vm8 =	vlt.f32 v38, v19  }
0xf3: {  	v61 =	vmul.f32 v57, v22;
	v38 =	vsel vm8, $0x200, v0;
	v31 =	vadd.s32 v26, v31;
	v40 =	vld.idx.msk [tilespmem:v40+s4+$0x0], $0xffff  }
0xf4: {  	v43 =	vmul.f32 v43, v22;
	v46 =	vmul.f32 v17, v17;
	v44 =	vor.u32 $0x100, v38  }
0xf5: {  	[tilespmem:$0x1FFA0] =	vst v1;
	v1 =	vmul.f32 v20, v5;
	v8 =	vadd.f32 $-1.984086120e-04, v61;
	v45 =	vmul.u32 $0x21, v44  }
0xf6: {  	v5 =	vmul.f32 v28, v28;
	v43 =	vadd.f32 $2.480104010e-05, v43;
	v4 =	vadd.f32 v47, v46;
	v42 =	vld.idx.msk [tilespmem:v42+s4+$0x0], $0xffff  }
0xf7: {  	vm12 =	vlt.u32 v58, $0x3E0;
	v8 =	vmul.f32 v8, v22;
	v63 =	vadd.s32 v24, v45  }
0xf8: {  	v43 =	vmul.f32 v43, v22;
	v45 =	vadd.f32 v5, v4;
	v31 =	vld.idx.msk [tilespmem:v31+s4+$0x0], $0xffff;
	vm10 =	vlt.f32 v40, v10  }
0xf9: {  	[tilespmem:$0x1FF90] =	vst v1;
	v1 =	vsub.f32 v39, v29;
	v8 =	vadd.f32 $8.333330970e-03, v8;
	vm0 =	vmand vm10, vm9  }
0xfa: {  	v48 =	vadd.f32 $-1.388888460e-03, v43;
	v49 =	vmax.f32 v45, $1.000000000e-30;
	v21 =	vsel vm0, v36, v21  }
0xfb: {  	v50 =	vshra.s32 v49, $0x1;
	v36 =	vmul.u32 $0x21, v21;
	vm11 =	vlt.f32 v42, v18  }
0xfc: {  	v43 =	vsub.s32 $0x5F3759DF, v50;
	v40 =	vld.idx.msk [tilespmem:v63+s4+$0x0], $0xffff;
	v42 =	vmul.f32 v48, v22;
	v37 =	vsel vm11, v56, v41  }
0xfd: {  	vm13 =	vlt.f32 v31, v25;
	v6 =	vadd.s32 v6, v36;
	v41 =	vor.u32 $0x40, v37  }
0xfe: {  	v36 =	vmul.f32 $5.000000000e-01, v49;
	vm0 =	vmand vm13, vm12;
	v51 =	vmul.u32 $0x21, v41  }
0xff: {  	v54 =	vadd.f32 $4.166666790e-02, v42;
	v53 =	vadd.s32 $0x21, v6;
	v32 =	vsel vm0, v60, v58  }
0x100: {  	v52 =	vmul.f32 v43, v36;
	v35 =	vadd.s32 $0x4, v32;
	v46 =	vadd.s32 v23, v51  }
0x101: {  	v8 =	vmul.f32 v8, v22;
	vm14 =	vlt.f32 v40, v19;
	v55 =	vmin.u32 v35, $0x3E7  }
0x102: {  	v40 =	vmul.f32 v54, v22;
	v31 =	vmul.f32 v43, v52;
	v38 =	vsel vm14, v44, v38  }
0x103: {  	v49 =	vadd.f32 $-1.666666720e-01, v8;
	v42 =	vmul.u32 $0x21, v55;
	v44 =	vor.u32 $0x80, v38;
	v50 =	vld.idx.msk [tilespmem:v6+s4+$0x0], $0xffff  }
0x104: {  	[tilespmem:$0x1FFB0] =	vst v1;
	v40 =	vadd.f32 $-5.000000000e-01, v40;
	v31 =	vsub.f32 $1.500000000e+00, v31;
	v48 =	vmul.u32 $0x21, v44;
	v56 =	vld.idx.msk [tilespmem:v53+s4+$0x0], $0xffff  }
0x105: {  	v1 =	vsub.f32 v33, v34;
	v58 =	vmul.f32 v49, v22;
	v42 =	vadd.s32 v26, v42;
	v46 =	vld.idx.msk [tilespmem:v46+s4+$0x0], $0xffff  }
0x106: {  	v60 =	vmul.f32 v40, v22;
	v22 =	vld [tilespmem:s23+$0x20];
	v31 =	vmul.f32 v43, v31;
	v57 =	vadd.s32 v24, v48  }
0x107: {  	[tilespmem:$0x1FFC0] =	vst v1;
	v1 =	vadd.f32 v29, v39;
	v63 =	vadd.s32 $0x1, v21  }
0x108: {  	v16 =	vadd.f32 v14, v16;
	v14 =	vadd.f32 v14, v13;
	v59 =	vmul.f32 v31, v36  }
0x109: {  	[tilespmem:$0x1FFE0] =	vst v1;
	v1 =	vmul.f32 v20, v9;
	v21 =	vld.idx.msk [tilespmem:v21+s10+$0x0], $0xffff;
	v61 =	vadd.f32 $1.000000000e+00, v58;
	v52 =	vmul.f32 v11, v15  }
0x10a: {  	v4 =	vld.idx.msk [tilespmem:v42+s4+$0x0], $0xffff;
	v5 =	vsub.f32 v56, v50;
	v62 =	vmul.f32 v59, v31;
	vm15 =	vlt.f32 v46, v18  }
0x10b: {  	v55 =	vmul.f32 v11, v12;
	v7 =	vld.idx.msk [tilespmem:v57+s4+$0x0], $0xffff;
	v46 =	vadd.s32 $0x4200, v22;
	v37 =	vsel vm15, v41, v37  }
0x10c: {  	v34 =	vld.idx.msk [tilespmem:v63+s10+$0x0], $0xffff;
	v39 =	vmax.f32 v5, $1.000000010e-10;
	v33 =	vsub.f32 $1.500000000e+00, v62;
	v6 =	vadd.s32 $0x20, v37  }
0x10d: {  	v20 =	vadd.f32 $1.000000000e+00, v60;
	(erf) = vrcp.f32 v39;
	v9 =	vmul.u32 $0x21, v6  }
0x10e: {  	vm4 =	vlt.u32 v32, $0x3E4;
	v8 =	vmul.f32 v61, v61;
	v31 =	vmul.f32 v33, v31  }
0x10f: {  	v43 =	vmul.f32 v20, v61;
	v20 =	vld [tilespmem:s22+$0x20];
	vm5 =	vlt.f32 v4, v25;
	v47 =	vadd.s32 v23, v9  }
0x110: {  	vm0 =	vmand vm5, vm4;
	v48 =	vmul.f32 v31, v45;
	vm6 =	vlt.f32 v7, v19;
	v33 =	vld.idx.msk [tilespmem:v46+s4+$0x0], $0xffff  }
0x111: {  	v34 =	vsub.f32 v34, v21;
	v32 =	vsel vm0, v35, v32;
	v35 =	vsel vm6, v44, v38  }
0x112: {  	v41 =	vadd.s32 $0x2, v32;
	v51 =	vadd.f32 $1.000000010e-07, v48;
	v42 =	vor.u32 $0x40, v35  }
0x113: {  	v10 =	vsub.f32 v10, v50;
	v53 =	vmin.u32 v41, $0x3E7;
	v54 =	vmul.u32 $0x21, v42  }
0x114: {  	v29 =	vmul.f32 $5.000000000e-01, v8;
	v36 =	vmul.u32 $0x21, v53;
	(erf) = vrcp.f32 v51;
	v39 =	vld.idx.msk [tilespmem:v47+s4+$0x0], $0xffff  }
0x115: {  	v57 =	vmul.f32 v34, v10;
	v44 =	vadd.s32 v24, v54;
	vm7 =	vlt.f32 v33, v20  }
0x116: {  	v56 =	vmul.f32 v43, v11;
	v36 =	vadd.s32 v26, v36;
	v58 =	vpop (erf);
	v47 =	vsel vm7, $0x200, v0  }
0x117: {  	v11 =	vmul.f32 v29, v16;
	v16 =	vmul.f32 v57, v58;
	v33 =	vor.u32 $0x100, v47  }
0x118: {  	v49 =	vmul.f32 v12, v15;
	v14 =	vmul.f32 v29, v14;
	v61 =	vmul.u32 $0x21, v33  }
0x119: {  	v59 =	vmul.f32 v29, v52;
	v16 =	vadd.f32 v16, v21;
	v21 =	vld [tilespmem:s23+$0x30];
	vm8 =	vlt.f32 v39, v18  }
0x11a: {  	v62 =	vmul.f32 v43, v12;
	v60 =	vld.idx.msk [tilespmem:v44+s4+$0x0], $0xffff;
	v51 =	vadd.s32 v22, v61;
	v40 =	vsel vm8, v6, v37  }
0x11b: {  	v43 =	vmul.f32 v43, v15;
	v31 =	vmul.f32 v29, v49;
	v63 =	vld.idx.msk [tilespmem:v36+s4+$0x0], $0xffff;
	v49 =	vadd.s32 $0x10, v40  }
0x11c: {  	v13 =	vadd.f32 v62, v59;
	v15 =	vsub.f32 v59, v62;
	v4 =	vmin.u32 v49, $0x3E7  }
0x11d: {  	[tilespmem:$0x1FFD0] =	vst v1;
	vm10 =	vlt.u32 v32, $0x3E6;
	v1 =	vsub.f32 v31, v56;
	v5 =	vpop (erf);
	v6 =	vmul.u32 $0x21, v4  }
0x11e: {  	v12 =	vadd.f32 v56, v31;
	v39 =	vmul.f32 v29, v55;
	v16 =	vmul.f32 v5, v16  }
0x11f: {  	v10 =	vadd.s32 $0x4200, v21;
	vm9 =	vlt.f32 v60, v19;
	v9 =	vld.idx.msk [tilespmem:v51+s4+$0x0], $0xffff;
	v7 =	vadd.s32 v23, v6  }
0x120: {  	vm11 =	vlt.f32 v63, v25;
	v34 =	vmul.f32 v16, v17;
	v45 =	vsel vm9, v42, v35  }
0x121: {  	v36 =	vmul.f32 v16, v30;
	vm0 =	vmand vm11, vm10;
	v30 =	vld [tilespmem:s21+$0xFFFFFF70];
	v8 =	vadd.s32 $0x20, v45  }
0x122: {  	v42 =	vmul.f32 v16, v28;
	v41 =	vsel vm0, v41, v32;
	v32 =	vld [tilespmem:s21+$0xFFFFFFF0];
	v57 =	vmul.u32 $0x21, v8  }
0x123: {  	v17 =	vld [tilespmem:s22+$0x30];
	v35 =	vmul.f32 v34, v34;
	v38 =	vmul.f32 v36, v36;
	v52 =	vadd.s32 $0x1, v41  }
0x124: {  	v58 =	vmin.u32 v52, $0x3E7;
	v53 =	vadd.s32 v24, v57;
	vm12 =	vlt.f32 v9, v20;
	v31 =	vld.idx.msk [tilespmem:v7+s4+$0x0], $0xffff  }
0x125: {  	v29 =	vmul.f32 v29, v27;
	v54 =	vmul.u32 $0x21, v58;
	v47 =	vsel vm12, v33, v47;
	v33 =	vld [tilespmem:s21+$0x70]  }
0x126: {  	vm13 =	vlt.u32 v40, $0x3D8;
	v37 =	vmul.f32 v42, v42;
	v59 =	vld.idx.msk [tilespmem:v10+s4+$0x0], $0xffff;
	v28 =	vadd.f32 v38, v35  }
0x127: {  	v4 =	vmul.f32 v30, v30;
	v61 =	vadd.s32 v26, v54;
	v55 =	vmul.f32 v32, v32  }
0x128: {  	v16 =	vsub.f32 v39, v43;
	v60 =	vadd.f32 v28, v37;
	v51 =	vor.u32 $0x80, v47  }
0x129: {  	v63 =	vmul.u32 $0x21, v51;
	v54 =	vadd.f32 v55, v4;
	v62 =	vld.idx.msk [tilespmem:v53+s4+$0x0], $0xffff;
	vm14 =	vlt.f32 v31, v18  }
0x12a: {  	v31 =	vmul.f32 $2.500000000e-01, v60;
	v58 =	vmul.f32 v33, v33;
	vm0 =	vmand vm14, vm13  }
0x12b: {  	vm15 =	vlt.f32 v59, v17;
	v53 =	vadd.s32 v22, v63;
	v40 =	vsel vm0, v49, v40  }
0x12c: {  	v50 =	vld.idx.msk [tilespmem:v61+s4+$0x0], $0xffff;
	v5 =	vmul.f32 $2.388949840e-08, v31;
	v46 =	vadd.f32 v58, v54;
	v49 =	vadd.s32 $0x8, v40  }
0x12d: {  	vm5 =	vlt.u32 v41, $0x3E7;
	v57 =	vsel vm15, $0x200, v0;
	v56 =	vmin.u32 v49, $0x3E7  }
0x12e: {  	vm4 =	vlt.f32 v62, v19;
	v44 =	vsub.f32 $2.752528640e-06, v5;
	v58 =	vmax.f32 v46, $1.000000000e-30  }
0x12f: {  	v6 =	vmul.u32 $0x21, v56;
	v56 =	vor.u32 $0x100, v57;
	v45 =	vsel vm4, v8, v45  }
0x130: {  	v53 =	vld.idx.msk [tilespmem:v53+s4+$0x0], $0xffff;
	v9 =	vshra.s32 v58, $0x1;
	v58 =	vmul.f32 $5.000000000e-01, v58;
	v7 =	vmul.u32 $0x21, v56  }
0x131: {  	v54 =	vadd.s32 $0x10, v45;
	vm6 =	vlt.f32 v50, v25;
	v55 =	vadd.s32 v23, v6  }
0x132: {  	v8 =	vmin.u32 v54, $0x3E7;
	vm0 =	vmand vm6, vm5;
	v48 =	vadd.s32 v21, v7  }
0x133: {  	v50 =	vmul.u32 $0x21, v8;
	v41 =	vsel vm0, v52, v41;
	v52 =	vsub.s32 $0x5F3759DF, v9  }
0x134: {  	v10 =	vmul.f32 $1.990768220e-09, v31;
	v59 =	vmul.u32 $0x21, v41;
	v60 =	vmul.f32 v52, v58  }
0x135: {  	v44 =	vmul.f32 v44, v31;
	vm7 =	vlt.f32 v53, v20;
	v50 =	vadd.s32 v24, v50  }
0x136: {  	v47 =	vsel vm7, v51, v47;
	v26 =	vadd.s32 v26, v59;
	v5 =	vmul.f32 v52, v60;
	v55 =	vld.idx.msk [tilespmem:v55+s4+$0x0], $0xffff  }
0x137: {  	v44 =	vadd.f32 $-1.984086120e-04, v44;
	v60 =	vor.u32 $0x40, v47;
	v4 =	vadd.s32 $0x21, v26;
	v48 =	vld.idx.msk [tilespmem:v48+s4+$0x0], $0xffff  }
0x138: {  	vm8 =	vlt.u32 v40, $0x3E0;
	v61 =	vmul.u32 $0x21, v60;
	v59 =	vsub.f32 $1.500000000e+00, v5  }
0x139: {  	vm11 =	vlt.u32 v45, $0x3D8;
	v53 =	vadd.f32 $-2.752468330e-07, v10;
	v44 =	vmul.f32 v44, v31  }
0x13a: {  	v8 =	vadd.s32 $0x1, v41;
	v6 =	vadd.s32 v22, v61;
	v50 =	vld.idx.msk [tilespmem:v50+s4+$0x0], $0xffff;
	v7 =	vmul.f32 v52, v59  }
0x13b: {  	v53 =	vmul.f32 v53, v31;
	v44 =	vadd.f32 $8.333330970e-03, v44;
	vm9 =	vlt.f32 v55, v18  }
0x13c: {  	v51 =	vld.idx.msk [tilespmem:v4+s4+$0x0], $0xffff;
	v58 =	vmul.f32 v7, v58;
	vm0 =	vmand vm9, vm8;
	vm10 =	vlt.f32 v48, v17  }
0x13d: {  	v53 =	vadd.f32 $2.480104010e-05, v53;
	v48 =	vld.idx.msk [tilespmem:v26+s4+$0x0], $0xffff;
	v40 =	vsel vm0, v49, v40;
	v49 =	vsel vm10, v56, v57  }
0x13e: {  	v44 =	vmul.f32 v44, v31;
	v4 =	vmul.f32 v58, v7;
	v57 =	vor.u32 $0x80, v49  }
0x13f: {  	v55 =	vld.idx.msk [tilespmem:v6+s4+$0x0], $0xffff;
	v56 =	vadd.s32 $0x4, v40;
	vm12 =	vlt.f32 v50, v19;
	v10 =	vmul.u32 $0x21, v57  }
0x140: {  	v53 =	vmul.f32 v53, v31;
	v9 =	vmin.u32 v56, $0x3E7;
	vm0 =	vmand vm12, vm11  }
0x141: {  	v50 =	vsub.f32 $1.500000000e+00, v4;
	v59 =	vmul.u32 $0x21, v9;
	v5 =	vadd.s32 v21, v10  }
0x142: {  	v44 =	vadd.f32 $-1.666666720e-01, v44;
	v45 =	vsel vm0, v54, v45;
	v51 =	vsub.f32 v51, v48  }
0x143: {  	v54 =	vadd.s32 $0x8, v45;
	v26 =	vmul.f32 v50, v7;
	v59 =	vadd.s32 v23, v59  }
0x144: {  	v10 =	vadd.f32 $-1.388888460e-03, v53;
	v6 =	vmin.u32 v54, $0x3E7;
	vm13 =	vlt.f32 v55, v20  }
0x145: {  	v52 =	vld.idx.msk [tilespmem:v8+s10+$0x0], $0xffff;
	v51 =	vmax.f32 v51, $1.000000010e-10;
	v7 =	vmul.u32 $0x21, v6;
	v46 =	vmul.f32 v26, v46  }
0x146: {  	v47 =	vsel vm13, v60, v47;
	v26 =	vadd.f32 v43, v39;
	v39 =	vmul.f32 v10, v31;
	v8 =	vld.idx.msk [tilespmem:v5+s4+$0x0], $0xffff  }
0x147: {  	v41 =	vld.idx.msk [tilespmem:v41+s10+$0x0], $0xffff;
	(erf) = vrcp.f32 v51;
	v58 =	vadd.s32 $0x20, v47;
	v50 =	vadd.s32 v24, v7  }
0x148: {  	v38 =	vadd.f32 v37, v38;
	v39 =	vadd.f32 $4.166666790e-02, v39;
	v9 =	vld.idx.msk [tilespmem:v59+s4+$0x0], $0xffff;
	v59 =	vmul.u32 $0x21, v58  }
0x149: {  	v37 =	vadd.f32 v37, v35;
	v44 =	vmul.f32 v44, v31;
	v46 =	vadd.f32 $1.000000010e-07, v46  }
0x14a: {  	vm15 =	vlt.u32 v40, $0x3E4;
	v39 =	vmul.f32 v39, v31;
	v61 =	vadd.s32 v22, v59  }
0x14b: {  	v44 =	vadd.f32 $1.000000000e+00, v44;
	(erf) = vrcp.f32 v46;
	vm14 =	vlt.f32 v8, v17  }
0x14c: {  	v25 =	vsub.f32 v25, v48;
	v39 =	vadd.f32 $-5.000000000e-01, v39;
	v50 =	vld.idx.msk [tilespmem:v50+s4+$0x0], $0xffff;
	v49 =	vsel vm14, v57, v49  }
0x14d: {  	v60 =	vsub.f32 v52, v41;
	vm4 =	vlt.f32 v9, v18;
	v62 =	vor.u32 $0x40, v49  }
0x14e: {  	v31 =	vmul.f32 v39, v31;
	vm0 =	vmand vm4, vm15;
	v63 =	vmul.u32 $0x21, v62  }
0x14f: {  	vm5 =	vlt.u32 v45, $0x3E0;
	v25 =	vmul.f32 v60, v25;
	v48 =	vsel vm0, v56, v40;
	v46 =	vld.idx.msk [tilespmem:v61+s4+$0x0], $0xffff  }
0x150: {  	v4 =	vpop (erf);
	v10 =	vadd.f32 $1.000000000e+00, v31;
	v53 =	vadd.s32 $0x2, v48;
	v40 =	vadd.s32 v21, v63  }
0x151: {  	v25 =	vmul.f32 v25, v4;
	vm6 =	vlt.f32 v50, v19;
	v5 =	vmin.u32 v53, $0x3E7  }
0x152: {  	v55 =	vmul.f32 v10, v44;
	vm0 =	vmand vm6, vm5;
	v52 =	vmul.u32 $0x21, v5  }
0x153: {  	v44 =	vmul.f32 v44, v44;
	v25 =	vadd.f32 v25, v41;
	v50 =	vsel vm0, v54, v45  }
0x154: {  	v7 =	vpop (erf);
	v6 =	vadd.s32 v23, v52;
	v52 =	vadd.s32 $0x4, v50;
	vm7 =	vlt.f32 v46, v20  }
0x155: {  	v25 =	vmul.f32 v7, v25;
	v8 =	vmin.u32 v52, $0x3E7;
	v46 =	vsel vm7, v58, v47;
	v9 =	vld.idx.msk [tilespmem:v40+s4+$0x0], $0xffff  }
0x156: {  	v63 =	vmul.f32 v36, v34;
	v39 =	vmul.u32 $0x21, v8;
	v54 =	vadd.s32 $0x10, v46  }
0x157: {  	v43 =	vmul.f32 $5.000000000e-01, v44;
	v32 =	vmul.f32 v25, v32;
	v59 =	vmin.u32 v54, $0x3E7  }
0x158: {  	v31 =	vmul.f32 v25, v30;
	v58 =	vadd.s32 v24, v39;
	v60 =	vmul.u32 $0x21, v59  }
0x159: {  	vm9 =	vlt.u32 v48, $0x3E6;
	v33 =	vmul.f32 v25, v33;
	v40 =	vmul.f32 v32, v32  }
0x15a: {  	v39 =	vmul.f32 v31, v31;
	v57 =	vld.idx.msk [tilespmem:v6+s4+$0x0], $0xffff;
	v25 =	vadd.s32 v22, v60;
	vm8 =	vlt.f32 v9, v17  }
0x15b: {  	v7 =	vmul.f32 v55, v42;
	v5 =	vmul.f32 v43, v63;
	v49 =	vsel vm8, v62, v49  }
0x15c: {  	v44 =	vld [tilespmem:s21+$0xFFFFFF80];
	v41 =	vmul.f32 v33, v33;
	v30 =	vadd.f32 v40, v39;
	v51 =	vadd.s32 $0x20, v49  }
0x15d: {  	vm11 =	vlt.u32 v50, $0x3E4;
	vm13 =	vlt.u32 v46, $0x3D8;
	v61 =	vld.idx.msk [tilespmem:v58+s4+$0x0], $0xffff;
	v62 =	vmul.u32 $0x21, v51  }
0x15e: {  	v27 =	vadd.f32 v7, v5;
	v60 =	vmul.f32 v42, v34;
	v4 =	vadd.f32 v30, v41  }
0x15f: {  	v42 =	vmul.f32 v42, v36;
	vm10 =	vlt.f32 v57, v18;
	v6 =	vld.idx.msk [tilespmem:v25+s4+$0x0], $0xffff;
	v47 =	vadd.s32 v21, v62  }
0x160: {  	v36 =	vmul.f32 v55, v36;
	v56 =	vmul.f32 $2.500000000e-01, v4;
	vm0 =	vmand vm10, vm9  }
0x161: {  	v25 =	vsub.f32 v5, v7;
	v7 =	vmul.f32 v44, v44;
	v48 =	vsel vm0, v53, v48  }
0x162: {  	v45 =	vld [tilespmem:s21+$0x0];
	v10 =	vmul.f32 $1.990768220e-09, v56;
	v53 =	vadd.s32 $0x1, v48;
	vm12 =	vlt.f32 v61, v19  }
0x163: {  	vm4 =	vlt.u32 v48, $0x3E7;
	v8 =	vmin.u32 v53, $0x3E7;
	vm0 =	vmand vm12, vm11  }
0x164: {  	v9 =	vmul.u32 $0x21, v8;
	v50 =	vsel vm0, v52, v50;
	vm14 =	vlt.f32 v6, v20;
	v4 =	vld.idx.msk [tilespmem:v47+s4+$0x0], $0xffff  }
0x165: {  	v6 =	vadd.f32 $-2.752468330e-07, v10;
	v62 =	vadd.s32 $0x2, v50;
	v47 =	vld [tilespmem:s21+$0x80];
	vm0 =	vmand vm14, vm13  }
0x166: {  	v59 =	vadd.s32 v23, v9;
	v5 =	vmin.u32 v62, $0x3E7;
	v46 =	vsel vm0, v54, v46  }
0x167: {  	v8 =	vmul.f32 v45, v45;
	v57 =	vmul.u32 $0x21, v5;
	v63 =	vadd.s32 $0x8, v46  }
0x168: {  	v9 =	vmul.f32 $2.388949840e-08, v56;
	v58 =	vmul.f32 v6, v56;
	v0 =	vmin.u32 v63, $0x3E7  }
0x169: {  	v54 =	vadd.f32 v8, v7;
	v57 =	vadd.s32 v24, v57;
	v0 =	vmul.u32 $0x21, v0  }
0x16a: {  	v58 =	vadd.f32 $2.480104010e-05, v58;
	vm15 =	vlt.f32 v4, v17;
	v10 =	vmul.f32 v47, v47  }
0x16b: {  	v59 =	vld.idx.msk [tilespmem:v59+s4+$0x0], $0xffff;
	v4 =	vsub.f32 $2.752528640e-06, v9;
	v49 =	vsel vm15, v51, v49;
	v0 =	vadd.s32 v22, v0  }
0x16c: {  	vm7 =	vlt.u32 v50, $0x3E6;
	v58 =	vmul.f32 v58, v56;
	v52 =	vadd.s32 $0x10, v49  }
0x16d: {  	v54 =	vadd.f32 v10, v54;
	v51 =	vmul.f32 v4, v56;
	v5 =	vmin.u32 v52, $0x3E7  }
0x16e: {  	vm8 =	vlt.u32 v46, $0x3E0;
	v58 =	vadd.f32 $-1.388888460e-03, v58;
	v57 =	vld.idx.msk [tilespmem:v57+s4+$0x0], $0xffff;
	v61 =	vmul.u32 $0x21, v5  }
0x16f: {  	vm11 =	vlt.u32 v49, $0x3D8;
	v6 =	vmax.f32 v54, $1.000000000e-30;
	v51 =	vadd.f32 $-1.984086120e-04, v51  }
0x170: {  	v58 =	vmul.f32 v58, v56;
	vm5 =	vlt.f32 v59, v18;
	v61 =	vadd.s32 v21, v61;
	v0 =	vld.idx.msk [tilespmem:v0+s4+$0x0], $0xffff  }
0x171: {  	v7 =	vshra.s32 v6, $0x1;
	v59 =	vmul.f32 $5.000000000e-01, v6;
	vm0 =	vmand vm5, vm4  }
0x172: {  	v51 =	vmul.f32 v51, v56;
	v48 =	vsel vm0, v53, v48;
	v53 =	vsub.s32 $0x5F3759DF, v7  }
0x173: {  	v8 =	vmul.f32 v53, v59;
	v9 =	vmul.u32 $0x21, v48;
	vm6 =	vlt.f32 v57, v19  }
0x174: {  	v58 =	vadd.f32 $4.166666790e-02, v58;
	v51 =	vadd.f32 $8.333330970e-03, v51;
	vm0 =	vmand vm6, vm7  }
0x175: {  	v57 =	vmul.f32 v53, v8;
	v23 =	vadd.s32 v23, v9;
	v61 =	vld.idx.msk [tilespmem:v61+s4+$0x0], $0xffff;
	vm9 =	vlt.f32 v0, v20  }
0x176: {  	v51 =	vmul.f32 v51, v56;
	v50 =	vsel vm0, v62, v50;
	vm0 =	vmand vm9, vm8  }
0x177: {  	v0 =	vsub.f32 $1.500000000e+00, v57;
	v57 =	vadd.s32 $0x1, v50;
	v46 =	vsel vm0, v63, v46  }
0x178: {  	v5 =	vadd.s32 $0x21, v23;
	v10 =	vmin.u32 v57, $0x3E7;
	v62 =	vadd.s32 $0x4, v46  }
0x179: {  	v0 =	vmul.f32 v53, v0;
	v4 =	vmul.u32 $0x21, v10;
	v6 =	vmin.u32 v62, $0x3E7  }
0x17a: {  	v7 =	vadd.f32 $-1.666666720e-01, v51;
	vm10 =	vlt.f32 v61, v17;
	v61 =	vmul.u32 $0x21, v6  }
0x17b: {  	v58 =	vmul.f32 v58, v56;
	v53 =	vadd.s32 v24, v4;
	v9 =	vmul.f32 v0, v59  }
0x17c: {  	[tilespmem:$0x1FFF0] =	vst v1;
	v1 =	vld.idx.msk [tilespmem:v23+s4+$0x0], $0xffff;
	v4 =	vmul.f32 v7, v56;
	vm0 =	vmand vm10, vm11;
	v61 =	vadd.s32 v22, v61  }
0x17d: {  	v49 =	vsel vm0, v52, v49;
	v52 =	vmul.f32 v55, v34;
	v34 =	vld.idx.msk [tilespmem:v5+s4+$0x0], $0xffff;
	v7 =	vmul.f32 v9, v0  }
0x17e: {  	v60 =	vmul.f32 v43, v60;
	v5 =	vadd.s32 $0x1, v48;
	v63 =	vadd.s32 $0x8, v49  }
0x17f: {  	v8 =	vadd.f32 $-5.000000000e-01, v58;
	v48 =	vld.idx.msk [tilespmem:v48+s10+$0x0], $0xffff;
	v10 =	vmin.u32 v63, $0x3E7;
	v51 =	vsub.f32 $1.500000000e+00, v7  }
0x180: {  	v42 =	vmul.f32 v43, v42;
	vm12 =	vlt.u32 v50, $0x3E7;
	v53 =	vld.idx.msk [tilespmem:v53+s4+$0x0], $0xffff;
	v58 =	vmul.u32 $0x21, v10  }
0x181: {  	vm14 =	vlt.u32 v46, $0x3E4;
	v6 =	vmul.f32 v8, v56;
	v0 =	vmul.f32 v51, v0;
	v51 =	vld [tilespmem:s21+$0xFFFFFF90]  }
0x182: {  	v56 =	vadd.f32 $1.000000000e+00, v4;
	v8 =	vld.idx.msk [tilespmem:v61+s4+$0x0], $0xffff;
	v58 =	vadd.s32 v21, v58;
	v34 =	vsub.f32 v34, v1  }
0x183: {  	v35 =	vadd.f32 $1.000000000e+00, v6;
	vm4 =	vlt.u32 v49, $0x3E0;
	v23 =	vld.idx.msk [tilespmem:v5+s10+$0x0], $0xffff;
	v0 =	vmul.f32 v0, v54  }
0x184: {  	v61 =	vadd.f32 v36, v60;
	v1 =	vsub.f32 v18, v1;
	v34 =	vmax.f32 v34, $1.000000010e-10  }
0x185: {  	v54 =	vld [tilespmem:s21+$0x10];
	vm13 =	vlt.f32 v53, v19;
	(erf) = vrcp.f32 v34;
	v0 =	vadd.f32 $1.000000010e-07, v0  }
0x186: {  	v34 =	vsub.f32 v60, v36;
	v36 =	vsub.f32 v42, v52;
	vm0 =	vmand vm13, vm12  }
0x187: {  	v7 =	vmul.f32 v51, v51;
	v50 =	vsel vm0, v57, v50;
	vm15 =	vlt.f32 v8, v20;
	v9 =	vld.idx.msk [tilespmem:v58+s4+$0x0], $0xffff  }
0x188: {  	v58 =	vmul.f32 v35, v56;
	v4 =	vsub.f32 v23, v48;
	vm0 =	vmand vm15, vm14  }
0x189: {  	v55 =	vld [tilespmem:s21+$0x90];
	(erf) = vrcp.f32 v0;
	v10 =	vmul.u32 $0x21, v50;
	v53 =	vsel vm0, v62, v46  }
0x18a: {  	v8 =	vmul.f32 v54, v54;
	v2 =	vadd.s32 $0x1, v50;
	v57 =	vadd.s32 $0x2, v53  }
0x18b: {  	v1 =	vmul.f32 v4, v1;
	v5 =	vadd.s32 v24, v10;
	v6 =	vmin.u32 v57, $0x3E7  }
0x18c: {  	v0 =	vadd.s32 $0x21, v5;
	v24 =	vmul.u32 $0x21, v6;
	vm5 =	vlt.f32 v9, v17  }
0x18d: {  	v10 =	vadd.f32 v8, v7;
	v9 =	vmul.f32 v56, v56;
	vm0 =	vmand vm5, vm4  }
0x18e: {  	v6 =	vmul.f32 v55, v55;
	v60 =	vld.idx.msk [tilespmem:v50+s10+$0x0], $0xffff;
	v24 =	vadd.s32 v22, v24;
	v59 =	vsel vm0, v63, v49  }
0x18f: {  	v7 =	vmul.f32 v32, v31;
	v2 =	vld.idx.msk [tilespmem:v2+s10+$0x0], $0xffff;
	v46 =	vmul.f32 $5.000000000e-01, v9;
	v8 =	vpop (erf);
	v62 =	vadd.s32 $0x4, v59  }
0x190: {  	v63 =	vadd.f32 v6, v10;
	v23 =	vld.idx.msk [tilespmem:v5+s4+$0x0], $0xffff;
	v1 =	vmul.f32 v1, v8;
	v9 =	vmin.u32 v62, $0x3E7  }
0x191: {  	v35 =	vadd.f32 v52, v42;
	v4 =	vmul.f32 v58, v33;
	v3 =	vld.idx.msk [tilespmem:v0+s4+$0x0], $0xffff;
	v10 =	vmul.u32 $0x21, v9  }
0x192: {  	v49 =	vmul.f32 v46, v7;
	v6 =	vmax.f32 v63, $1.000000000e-30;
	v1 =	vadd.f32 v1, v48  }
0x193: {  	v8 =	vshra.s32 v6, $0x1;
	v0 =	vmul.f32 $5.000000000e-01, v6;
	v5 =	vld.idx.msk [tilespmem:v24+s4+$0x0], $0xffff;
	v7 =	vadd.s32 v21, v10  }
0x194: {  	vm7 =	vlt.u32 v53, $0x3E6;
	v42 =	vsub.s32 $0x5F3759DF, v8;
	v18 =	vadd.f32 v4, v49;
	v9 =	vpop (erf)  }
0x195: {  	v2 =	vsub.f32 v2, v60;
	v10 =	vmul.f32 v42, v0;
	v1 =	vmul.f32 v9, v1  }
0x196: {  	vm8 =	vlt.u32 v59, $0x3E4;
	v24 =	vsub.f32 v49, v4;
	v9 =	vld [tilespmem:s21+$0xFFFFFFA0];
	v3 =	vsub.f32 v3, v23  }
0x197: {  	v19 =	vsub.f32 v19, v23;
	v56 =	vmul.f32 v42, v10;
	v49 =	vmul.f32 v1, v44  }
0x198: {  	v52 =	vmul.f32 v1, v45;
	v3 =	vmax.f32 v3, $1.000000010e-10;
	vm6 =	vlt.f32 v5, v20;
	v50 =	vld.idx.msk [tilespmem:v7+s4+$0x0], $0xffff  }
0x199: {  	v45 =	vld [tilespmem:s21+$0x20];
	(erf) = vrcp.f32 v3;
	v3 =	vsub.f32 $1.500000000e+00, v56;
	vm0 =	vmand vm6, vm7  }
0x19a: {  	v56 =	vmul.f32 v1, v47;
	v48 =	vmul.f32 v49, v49;
	v5 =	vsel vm0, v57, v53  }
0x19b: {  	v6 =	vmul.f32 v9, v9;
	v3 =	vmul.f32 v42, v3;
	v44 =	vadd.s32 $0x1, v5  }
0x19c: {  	v53 =	vmul.f32 v52, v52;
	v57 =	vmul.f32 v56, v56;
	v4 =	vmin.u32 v44, $0x3E7  }
0x19d: {  	v47 =	vld [tilespmem:s21+$0xA0];
	v0 =	vmul.f32 v3, v0;
	v23 =	vmul.u32 $0x21, v4;
	vm9 =	vlt.f32 v50, v17  }
0x19e: {  	v7 =	vmul.f32 v45, v45;
	vm11 =	vlt.u32 v5, $0x3E7;
	vm0 =	vmand vm9, vm8  }
0x19f: {  	v0 =	vmul.f32 v0, v3;
	v42 =	vsel vm0, v62, v59;
	v23 =	vadd.s32 v22, v23  }
0x1a0: {  	v4 =	vmul.f32 v2, v19;
	v19 =	vadd.f32 v53, v48;
	v59 =	vadd.s32 $0x2, v42  }
0x1a1: {  	v50 =	vadd.f32 v7, v6;
	v1 =	vsub.f32 $1.500000000e+00, v0;
	v8 =	vmin.u32 v59, $0x3E7  }
0x1a2: {  	v62 =	vadd.f32 v19, v57;
	v0 =	vmul.f32 v47, v47;
	v10 =	vpop (erf);
	v2 =	vmul.u32 $0x21, v8  }
0x1a3: {  	vm13 =	vlt.u32 v42, $0x3E6;
	v4 =	vmul.f32 v4, v10;
	v1 =	vmul.f32 v1, v3  }
0x1a4: {  	v6 =	vadd.f32 v0, v50;
	v50 =	vmul.f32 v43, v38;
	v23 =	vld.idx.msk [tilespmem:v23+s4+$0x0], $0xffff;
	v2 =	vadd.s32 v21, v2  }
0x1a5: {  	v10 =	vmul.f32 v43, v37;
	v38 =	vadd.f32 v41, v40;
	v40 =	vmul.f32 $2.500000000e-01, v62  }
0x1a6: {  	v62 =	vmul.f32 v43, v28;
	v8 =	vadd.f32 v41, v39;
	v4 =	vadd.f32 v4, v60  }
0x1a7: {  	v1 =	vmul.f32 v1, v63;
	v43 =	vmul.f32 $1.990768220e-09, v40;
	v60 =	vmax.f32 v6, $1.000000000e-30  }
0x1a8: {  	v7 =	vmul.f32 $2.388949840e-08, v40;
	v63 =	vshra.s32 v60, $0x1;
	v39 =	vmul.f32 $5.000000000e-01, v60  }
0x1a9: {  	v28 =	vadd.f32 $-2.752468330e-07, v43;
	vm10 =	vlt.f32 v23, v20;
	v2 =	vld.idx.msk [tilespmem:v2+s4+$0x0], $0xffff;
	v23 =	vsub.s32 $0x5F3759DF, v63  }
0x1aa: {  	v3 =	vmul.f32 v33, v31;
	v1 =	vadd.f32 $1.000000010e-07, v1;
	v60 =	vmul.f32 v23, v39  }
0x1ab: {  	v37 =	vsub.f32 $2.752528640e-06, v7;
	v63 =	vmul.f32 v28, v40;
	vm0 =	vmand vm10, vm11  }
0x1ac: {  	(erf) = vrcp.f32 v1;
	v1 =	vsel vm0, v44, v5;
	v44 =	vmul.f32 v23, v60  }
0x1ad: {  	v31 =	vmul.f32 v58, v31;
	v28 =	vld [tilespmem:s21+$0xFFFFFFB0];
	v60 =	vadd.f32 $2.480104010e-05, v63;
	v63 =	vmul.u32 $0x21, v1  }
0x1ae: {  	vm12 =	vlt.f32 v2, v17;
	v2 =	vmul.f32 v37, v40;
	v37 =	vld [tilespmem:s21+$0x30];
	v5 =	vsub.f32 $1.500000000e+00, v44  }
0x1af: {  	v3 =	vmul.f32 v46, v3;
	v41 =	vmul.f32 v60, v40;
	v43 =	vadd.s32 v22, v63  }
0x1b0: {  	v22 =	vld [tilespmem:s21+$0xB0];
	vm0 =	vmand vm12, vm13;
	v2 =	vadd.f32 $-1.984086120e-04, v2;
	v5 =	vmul.f32 v23, v5  }
0x1b1: {  	v23 =	vsel vm0, v59, v42;
	v41 =	vadd.f32 $-1.388888460e-03, v41;
	v42 =	vadd.s32 $0x21, v43  }
0x1b2: {  	v59 =	vmul.f32 v28, v28;
	v44 =	vadd.s32 $0x1, v23;
	v2 =	vmul.f32 v2, v40  }
0x1b3: {  	v41 =	vmul.f32 v41, v40;
	v7 =	vmin.u32 v44, $0x3E7;
	v60 =	vmul.f32 v37, v37  }
0x1b4: {  	v39 =	vmul.f32 v5, v39;
	v7 =	vmul.u32 $0x21, v7;
	v2 =	vadd.f32 $8.333330970e-03, v2  }
0x1b5: {  	v0 =	vmul.f32 v22, v22;
	v41 =	vadd.f32 $4.166666790e-02, v41;
	v59 =	vadd.f32 v60, v59  }
0x1b6: {  	v63 =	vadd.s32 $0x1, v1;
	v60 =	vadd.s32 v21, v7;
	v2 =	vmul.f32 v2, v40  }
0x1b7: {  	v7 =	vadd.f32 v0, v59;
	v59 =	vmul.f32 v33, v32;
	v33 =	vmul.f32 v41, v40  }
0x1b8: {  	v41 =	vld.idx.msk [tilespmem:v42+s4+$0x0], $0xffff;
	v42 =	vmul.f32 v58, v32;
	v32 =	vmul.f32 v39, v5;
	v39 =	vpop (erf)  }
0x1b9: {  	v8 =	vmul.f32 v46, v8;
	v43 =	vld.idx.msk [tilespmem:v43+s4+$0x0], $0xffff;
	v2 =	vadd.f32 $-1.666666720e-01, v2;
	v4 =	vmul.f32 v39, v4  }
0x1ba: {  	v1 =	vld.idx.msk [tilespmem:v1+s10+$0x0], $0xffff;
	v33 =	vadd.f32 $-5.000000000e-01, v33;
	v32 =	vsub.f32 $1.500000000e+00, v32;
	v58 =	vmax.f32 v7, $1.000000000e-30  }
0x1bb: {  	v39 =	vld.idx.msk [tilespmem:v63+s10+$0x0], $0xffff;
	v2 =	vmul.f32 v2, v40;
	v0 =	vmul.f32 $5.000000000e-01, v58  }
0x1bc: {  	vm15 =	vlt.u32 v23, $0x3E7;
	v63 =	vmul.f32 v33, v40;
	v5 =	vmul.f32 v32, v5  }
0x1bd: {  	v40 =	vld.idx.msk [tilespmem:v60+s4+$0x0], $0xffff;
	v33 =	vshra.s32 v58, $0x1;
	v60 =	vmul.f32 v4, v51;
	v32 =	vmul.f32 v4, v54  }
0x1be: {  	v51 =	vsub.s32 $0x5F3759DF, v33;
	v41 =	vsub.f32 v41, v43;
	v33 =	vmul.f32 v4, v55  }
0x1bf: {  	v4 =	vsub.f32 v20, v43;
	v2 =	vadd.f32 $1.000000000e+00, v2;
	v54 =	vmul.f32 v51, v0  }
0x1c0: {  	v55 =	vsub.f32 v39, v1;
	v5 =	vmul.f32 v5, v6;
	v39 =	vmul.f32 v60, v60  }
0x1c1: {  	v58 =	vmax.f32 v41, $1.000000010e-10;
	v41 =	vmul.f32 v33, v33;
	v43 =	vmul.f32 v51, v54  }
0x1c2: {  	(erf) = vrcp.f32 v58;
	v5 =	vadd.f32 $1.000000010e-07, v5;
	vm14 =	vlt.f32 v40, v17  }
0x1c3: {  	v4 =	vmul.f32 v55, v4;
	v40 =	vmul.f32 v32, v32;
	vm0 =	vmand vm14, vm15  }
0x1c4: {  	v55 =	vadd.f32 $1.000000000e+00, v63;
	(erf) = vrcp.f32 v5;
	v23 =	vsel vm0, v44, v23  }
0x1c5: {  	v5 =	vmul.f32 v46, v38;
	v20 =	vadd.f32 v40, v39;
	v58 =	vmul.u32 $0x21, v23  }
0x1c6: {  	v54 =	vsub.f32 $1.500000000e+00, v43;
	v38 =	vmul.f32 v55, v2;
	v2 =	vmul.f32 v2, v2  }
0x1c7: {  	v44 =	vmul.f32 v46, v59;
	v59 =	vadd.f32 v20, v41;
	v21 =	vadd.s32 v21, v58  }
0x1c8: {  	v58 =	vmul.f32 $5.000000000e-01, v2;
	v2 =	vmul.f32 v52, v49;
	v63 =	vadd.s32 $0x21, v21  }
0x1c9: {  	v6 =	vmul.f32 v51, v54;
	v54 =	vsub.f32 v44, v31;
	v59 =	vmul.f32 $2.500000000e-01, v59  }
0x1ca: {  	v51 =	vadd.f32 v31, v44;
	v31 =	vmul.f32 v38, v56;
	v2 =	vmul.f32 v58, v2  }
0x1cb: {  	v55 =	vadd.f32 v42, v3;
	v43 =	vsub.f32 v3, v42;
	v44 =	vld [tilespmem:$0x1FF60];
	v3 =	vmul.f32 $1.990768220e-09, v59;
	v42 =	vpop (erf)  }
0x1cc: {  	v46 =	vmul.f32 v46, v30;
	v4 =	vmul.f32 v4, v42;
	v30 =	vsub.f32 v2, v31;
	v42 =	vld.idx.msk [tilespmem:v21+s4+$0x0], $0xffff  }
0x1cd: {  	v3 =	vadd.f32 $-2.752468330e-07, v3;
	v21 =	vadd.f32 v31, v2;
	v2 =	vld.idx.msk [tilespmem:v63+s4+$0x0], $0xffff;
	_ =	sdelay $0x1  }
0x1ce: {  	v0 =	vmul.f32 v6, v0;
	v3 =	vmul.f32 v3, v59  }
0x1cf: {  	v31 =	vsub.f32 $1.000000000e+00, v44  }
0x1d0: {  	v0 =	vmul.f32 v0, v6;
	v44 =	vmul.f32 v56, v49;
	v3 =	vadd.f32 $2.480104010e-05, v3  }
0x1d1: {  	v63 =	vmul.f32 $2.388949840e-08, v59;
	[tilespmem:s24+$0x0] =	vst v31;
	v31 =	vmul.f32 v38, v49;
	v49 =	vld [tilespmem:$0x1FF80];
	v2 =	vsub.f32 v2, v42  }
0x1d2: {  	v0 =	vsub.f32 $1.500000000e+00, v0;
	v3 =	vmul.f32 v3, v59  }
0x1d3: {  	v1 =	vadd.f32 v4, v1;
	v4 =	vsub.f32 $2.752528640e-06, v63;
	v63 =	vld [tilespmem:$0x1FF70];
	v2 =	vmax.f32 v2, $1.000000010e-10  }
0x1d4: {  	(erf) = vrcp.f32 v2;
	v2 =	vadd.f32 $-1.388888460e-03, v3;
	v3 =	vld [tilespmem:$0x1FFB0]  }
0x1d5: {  	v14 =	vsub.f32 $1.000000000e+00, v14;
	v0 =	vmul.f32 v0, v6;
	v6 =	vadd.s32 $0x1, v23  }
0x1d6: {  	[tilespmem:s24+$0x100] =	vst v49;
	v49 =	vld [tilespmem:$0x1FFA0]  }
0x1d7: {  	[tilespmem:s24+$0x210] =	vst v14;
	v56 =	vmul.f32 v56, v52;
	v52 =	vmul.f32 v38, v52;
	v23 =	vld.idx.msk [tilespmem:v23+s10+$0x0], $0xffff;
	v38 =	vpop (erf)  }
0x1d8: {  	v38 =	vmul.f32 v38, v1;
	v1 =	vmul.f32 v4, v59;
	[tilespmem:s24+$0x80] =	vst v63;
	v63 =	vld [tilespmem:$0x1FF90]  }
0x1d9: {  	v0 =	vmul.f32 v0, v7;
	[tilespmem:s24+$0x280] =	vst v3;
	v3 =	vld [tilespmem:$0x1FFC0]  }
0x1da: {  	[tilespmem:s24+$0x110] =	vst v13;
	v48 =	vadd.f32 v57, v48;
	v6 =	vld.idx.msk [tilespmem:v6+s10+$0x0], $0xffff;
	v1 =	vadd.f32 $-1.984086120e-04, v1  }
0x1db: {  	v0 =	vadd.f32 $1.000000010e-07, v0;
	[tilespmem:s24+$0x180] =	vst v49;
	v49 =	vadd.f32 v57, v53;
	v57 =	vmul.f32 v2, v59;
	v2 =	vld [tilespmem:$0x1FFE0]  }
0x1dc: {  	[tilespmem:s24+$0x2A0] =	vst v36;
	v10 =	vsub.f32 $1.000000000e+00, v10;
	v36 =	vsub.f32 $1.000000000e+00, v8;
	v1 =	vmul.f32 v1, v59  }
0x1dd: {  	[tilespmem:s24+$0x190] =	vst v12;
	v42 =	vsub.f32 v17, v42;
	(erf) = vrcp.f32 v0;
	v0 =	vsub.f32 $1.000000000e+00, v29  }
0x1de: {  	v48 =	vmul.f32 v58, v48;
	v4 =	vsub.f32 $1.000000000e+00, v63;
	v63 =	vadd.f32 $8.333330970e-03, v1;
	[tilespmem:s24+$0x300] =	vst v3;
	v3 =	vld [tilespmem:$0x1FFD0]  }
0x1df: {  	[tilespmem:s24+$0x290] =	vst v16;
	v19 =	vmul.f32 v58, v19;
	v6 =	vsub.f32 v6, v23;
	v53 =	vsub.f32 $1.000000000e+00, v11  }
0x1e0: {  	v7 =	vadd.f32 $4.166666790e-02, v57;
	[tilespmem:s24+$0x380] =	vst v2;
	v2 =	vmul.f32 v38, v45;
	v45 =	vmul.f32 v63, v59  }
0x1e1: {  	v44 =	vmul.f32 v58, v44;
	[tilespmem:s24+$0x4010] =	vst v0;
	v0 =	vsub.f32 $1.000000000e+00, v62;
	v1 =	vmul.f32 v38, v9  }
0x1e2: {  	v6 =	vmul.f32 v6, v42;
	[tilespmem:s24+$0x10] =	vst v53;
	v7 =	vmul.f32 v7, v59;
	v57 =	vadd.f32 $-1.666666720e-01, v45  }
0x1e3: {  	v53 =	vsub.f32 $1.000000000e+00, v50;
	[tilespmem:s24+$0x4020] =	vst v0;
	v0 =	vmul.f32 v58, v49;
	v3 =	vsub.f32 $1.000000000e+00, v3  }
0x1e4: {  	[tilespmem:s24+$0x120] =	vst v61;
	v9 =	vmul.f32 v1, v1;
	v7 =	vadd.f32 $-5.000000000e-01, v7;
	v63 =	vmul.f32 v57, v59  }
0x1e5: {  	v61 =	vsub.f32 $1.000000000e+00, v5;
	v12 =	vmul.f32 v2, v2;
	[tilespmem:s24+$0x4000] =	vst v3;
	v3 =	vmul.f32 v38, v47  }
0x1e6: {  	[tilespmem:s24+$0x20] =	vst v53;
	v53 =	vmul.f32 v32, v60;
	v7 =	vmul.f32 v7, v59;
	v45 =	vpop (erf);
	v13 =	vadd.f32 $1.000000000e+00, v63;
	v47 =	vld [tilespmem:$0x1FFF0]  }
0x1e7: {  	[tilespmem:s24+$0x200] =	vst v4;
	v4 =	vadd.f32 v12, v9;
	v6 =	vmul.f32 v6, v45;
	v11 =	vmul.f32 v3, v3  }
0x1e8: {  	[tilespmem:s24+$0x330] =	vst v43;
	v38 =	vadd.f32 v52, v44;
	v44 =	vsub.f32 v44, v52;
	v52 =	vmul.f32 v13, v13  }
0x1e9: {  	[tilespmem:s24+$0x2B0] =	vst v54;
	v43 =	vmul.f32 v2, v1;
	v7 =	vadd.f32 $1.000000000e+00, v7;
	v50 =	vadd.f32 v4, v11  }
0x1ea: {  	v6 =	vadd.f32 v6, v23;
	v14 =	vmul.f32 $5.000000000e-01, v52;
	[tilespmem:s24+$0x340] =	vst v44;
	v44 =	vmul.f32 v3, v1  }
0x1eb: {  	v54 =	vadd.f32 v41, v39;
	v59 =	vpop (erf);
	[tilespmem:s24+$0x90] =	vst v47;
	v47 =	vmul.f32 v58, v56;
	v16 =	vmul.f32 $2.500000000e-01, v50  }
0x1ec: {  	v0 =	vsub.f32 $1.000000000e+00, v0;
	v56 =	vmul.f32 v7, v13;
	v13 =	vmul.f32 v59, v6  }
0x1ed: {  	[tilespmem:s24+$0x310] =	vst v15;
	v19 =	vsub.f32 $1.000000000e+00, v19;
	v23 =	vmul.f32 v14, v53;
	v57 =	vmul.f32 $1.990768220e-09, v16  }
0x1ee: {  	[tilespmem:s24+$0x40] =	vst v0;
	v0 =	vsub.f32 $1.000000000e+00, v48;
	v5 =	vmul.f32 v13, v28;
	v63 =	vmul.f32 $2.388949840e-08, v16  }
0x1ef: {  	[tilespmem:s24+$0x140] =	vst v38;
	v38 =	vmul.f32 v14, v54;
	v6 =	vmul.f32 v13, v37;
	v7 =	vadd.f32 $-2.752468330e-07, v57  }
0x1f0: {  	[tilespmem:s24+$0x220] =	vst v10;
	v8 =	vmul.f32 v13, v22;
	v10 =	vmul.f32 v5, v5;
	v37 =	vsub.f32 $2.752528640e-06, v63  }
0x1f1: {  	[tilespmem:s24+$0x390] =	vst v26;
	v53 =	vadd.f32 v41, v40;
	v22 =	vmul.f32 v6, v6;
	v7 =	vmul.f32 v7, v16  }
0x1f2: {  	[tilespmem:s24+$0x1A0] =	vst v27;
	v12 =	vadd.f32 v11, v12;
	v41 =	vsub.f32 $1.000000000e+00, v38;
	v45 =	vmul.f32 v37, v16  }
0x1f3: {  	[tilespmem:s24+$0xA0] =	vst v25;
	v13 =	vmul.f32 v8, v8;
	v42 =	vadd.f32 $2.480104010e-05, v7;
	v7 =	vadd.f32 v22, v10  }
0x1f4: {  	[tilespmem:s24+$0x320] =	vst v34;
	v50 =	vmul.f32 v33, v60;
	v17 =	vsub.f32 v47, v31;
	v26 =	vadd.f32 $-1.984086120e-04, v45  }
0x1f5: {  	[tilespmem:s24+$0x3A0] =	vst v35;
	v62 =	vmul.f32 v56, v33;
	v33 =	vmul.f32 v33, v32;
	v49 =	vadd.f32 v7, v13  }
0x1f6: {  	[tilespmem:s24+$0x1B0] =	vst v18;
	v15 =	vadd.f32 v31, v47;
	v27 =	vmul.f32 v42, v16;
	v26 =	vmul.f32 v26, v16  }
0x1f7: {  	[tilespmem:s24+$0xB0] =	vst v24;
	v47 =	vsub.f32 $1.000000000e+00, v46;
	v32 =	vmul.f32 v56, v32;
	v52 =	vmul.f32 $2.500000000e-01, v49  }
0x1f8: {  	[tilespmem:s24+$0x230] =	vst v36;
	v25 =	vmul.f32 v56, v60;
	v27 =	vadd.f32 $-1.388888460e-03, v27;
	v26 =	vadd.f32 $8.333330970e-03, v26  }
0x1f9: {  	[tilespmem:s24+$0x130] =	vst v55;
	v28 =	vsub.f32 v23, v62;
	v55 =	vmul.f32 $1.990768220e-09, v52;
	v56 =	vmul.f32 $2.388949840e-08, v52  }
0x1fa: {  	[tilespmem:s24+$0x30] =	vst v61;
	v23 =	vadd.f32 v62, v23;
	v27 =	vmul.f32 v27, v16;
	v57 =	vmul.f32 v26, v16  }
0x1fb: {  	[tilespmem:s24+$0x3B0] =	vst v51;
	v18 =	vmul.f32 v14, v50;
	v58 =	vadd.f32 $-2.752468330e-07, v55;
	v59 =	vsub.f32 $2.752528640e-06, v56  }
0x1fc: {  	[tilespmem:s24+$0xC0] =	vst v30;
	v36 =	vmul.f32 v14, v53;
	v27 =	vadd.f32 $4.166666790e-02, v27;
	v24 =	vadd.f32 $-1.666666720e-01, v57  }
0x1fd: {  	[tilespmem:s24+$0x4040] =	vst v19;
	v60 =	vadd.f32 v32, v18;
	v26 =	vmul.f32 v58, v52;
	v31 =	vmul.f32 v59, v52  }
0x1fe: {  	[tilespmem:s24+$0x1C0] =	vst v21;
	v18 =	vsub.f32 v18, v32;
	v27 =	vmul.f32 v27, v16;
	v61 =	vmul.f32 v24, v16  }
0x1ff: {  	[tilespmem:s24+$0x240] =	vst v0;
	v46 =	vmul.f32 v3, v2;
	v62 =	vadd.f32 $2.480104010e-05, v26;
	v32 =	vadd.f32 $-1.984086120e-04, v31  }
0x200: {  	[tilespmem:s24+$0x250] =	vst v41;
	v33 =	vmul.f32 v14, v33;
	v27 =	vadd.f32 $-5.000000000e-01, v27;
	v21 =	vadd.f32 $1.000000000e+00, v61  }
0x201: {  	v9 =	vadd.f32 v11, v9;
	[tilespmem:s24+$0x4030] =	vst v47;
	v24 =	vmul.f32 v62, v52;
	v26 =	vmul.f32 v32, v52  }
0x202: {  	[tilespmem:s24+$0x2C0] =	vst v17;
	v63 =	vsub.f32 v33, v25;
	v0 =	vmul.f32 v27, v16;
	v39 =	vmul.f32 v21, v21  }
0x203: {  	[tilespmem:s24+$0x3C0] =	vst v15;
	v14 =	vmul.f32 v14, v20;
	v24 =	vadd.f32 $-1.388888460e-03, v24;
	v40 =	vadd.f32 $8.333330970e-03, v26  }
0x204: {  	v33 =	vadd.f32 v25, v33;
	[tilespmem:s24+$0xD0] =	vst v28;
	v0 =	vadd.f32 $1.000000000e+00, v0;
	v19 =	vmul.f32 $5.000000000e-01, v39  }
0x205: {  	v14 =	vsub.f32 $1.000000000e+00, v14;
	[tilespmem:s24+$0x1D0] =	vst v23;
	v24 =	vmul.f32 v24, v52;
	v20 =	vmul.f32 v40, v52  }
0x206: {  	v53 =	vadd.f32 v13, v22;
	[tilespmem:s24+$0x150] =	vst v60;
	v0 =	vmul.f32 v0, v21;
	v12 =	vmul.f32 v19, v12  }
0x207: {  	[tilespmem:s24+$0x350] =	vst v18;
	v47 =	vmul.f32 v19, v43;
	v42 =	vadd.f32 $4.166666790e-02, v24;
	v20 =	vadd.f32 $-1.666666720e-01, v20  }
0x208: {  	v37 =	vsub.f32 $1.000000000e+00, v36;
	[tilespmem:s24+$0x2D0] =	vst v63;
	v11 =	vmul.f32 v19, v44;
	v9 =	vmul.f32 v19, v9  }
0x209: {  	[tilespmem:s24+$0x3D0] =	vst v33;
	v10 =	vadd.f32 v13, v10;
	v45 =	vmul.f32 v42, v52;
	v20 =	vmul.f32 v20, v52  }
0x20a: {  	[tilespmem:s24+$0x4050] =	vst v14;
	v12 =	vsub.f32 $1.000000000e+00, v12;
	v3 =	vmul.f32 v0, v3;
	v9 =	vsub.f32 $1.000000000e+00, v9  }
0x20b: {  	[tilespmem:s24+$0x50] =	vst v37;
	v2 =	vmul.f32 v0, v2;
	v15 =	vadd.f32 $-5.000000000e-01, v45;
	v48 =	vadd.f32 $1.000000000e+00, v20  }
0x20c: {  	v0 =	vmul.f32 v0, v1;
	v1 =	vmul.f32 v19, v46;
	v49 =	vsub.f32 v47, v3;
	[tilespmem:s24+$0x60] =	vst v12  }
0x20d: {  	v50 =	vadd.f32 v2, v11;
	[tilespmem:s24+$0x260] =	vst v9;
	v15 =	vmul.f32 v15, v52;
	v51 =	vmul.f32 v48, v48  }
0x20e: {  	v55 =	vmul.f32 v6, v5;
	v4 =	vmul.f32 v19, v4;
	v3 =	vadd.f32 v3, v47;
	[tilespmem:s24+$0xE0] =	vst v49  }
0x20f: {  	v54 =	vsub.f32 v1, v0;
	[tilespmem:s24+$0x160] =	vst v50;
	v52 =	vadd.f32 $1.000000000e+00, v15;
	v12 =	vmul.f32 $5.000000000e-01, v51  }
0x210: {  	v57 =	vmul.f32 v8, v5;
	v0 =	vadd.f32 v0, v1;
	v1 =	vsub.f32 $1.000000000e+00, v4;
	[tilespmem:s24+$0x1E0] =	vst v3  }
0x211: {  	v2 =	vsub.f32 v11, v2;
	[tilespmem:s24+$0x2E0] =	vst v54;
	v3 =	vmul.f32 v52, v48;
	v56 =	vmul.f32 v12, v53  }
0x212: {  	[tilespmem:s24+$0x4060] =	vst v1;
	v1 =	vmul.f32 v8, v6;
	v10 =	vmul.f32 v12, v10  }
0x213: {  	[tilespmem:s24+$0x360] =	vst v2;
	v9 =	vmul.f32 v12, v55;
	v2 =	vsub.f32 $1.000000000e+00, v56;
	v58 =	vmul.f32 v3, v8  }
0x214: {  	[tilespmem:s24+$0x3E0] =	vst v0;
	v0 =	vmul.f32 v12, v57;
	v59 =	vmul.f32 v3, v6;
	v62 =	vsub.f32 $1.000000000e+00, v10  }
0x215: {  	v60 =	vsub.f32 v9, v58;
	[tilespmem:s24+$0x70] =	vst v2  }
0x216: {  	v1 =	vmul.f32 v12, v1;
	v3 =	vmul.f32 v3, v5;
	v61 =	vadd.f32 v59, v0;
	[tilespmem:s24+$0x270] =	vst v62  }
0x217: {  	s20 =	sadd.s32 $0x8, s20;
	v2 =	vadd.f32 v58, v9;
	[tilespmem:s24+$0xF0] =	vst v60  }
0x218: {  	p0 =	slt.u32 s20, $0x78;
	v63 =	vsub.f32 v1, v3;
	[tilespmem:s24+$0x170] =	vst v61  }
.Ltmp0:
0x219: {  	v0 =	vsub.f32 v0, v59;
	[tilespmem:s24+$0x1F0] =	vst v2;
	v2 =	vmul.f32 v12, v7;
	(pc) =	sbr.rel @p0 .LBB2_2-.Ltmp0, $4  }
0x21a: {  	v1 =	vadd.f32 v3, v1;
	[tilespmem:s24+$0x2F0] =	vst v63  }
0x21b: {  	[tilespmem:s24+$0x370] =	vst v0;
	v2 =	vsub.f32 $1.000000000e+00, v2  }
0x21c: {  	s23 =	sadd.s32 $0x80, s23;
	[tilespmem:s24+$0x3F0] =	vst v1  }
0x21d: {  	s22 =	sadd.s32 $0x80, s22;
	s21 =	sadd.s32 $0x200, s21;
	v0 =	vimm.s32 $0x0;
	[tilespmem:s24+$0x4070] =	vst v2;
	s24 =	sadd.s32 $0x400, s24  }
0x21e: {  	s19 =	sadd.s32 $0x1, s19  }
0x21f: {  	p0 =	sne.s32 s19, s9  }
.Ltmp1:
0x220: {  	_ = 	snop;
	(pc) =	sbr.rel @p0 .LBB2_1-.Ltmp1, $4  }
0x221: {  	[hbm4b:s8+s15] =	stream.strided.scatter [tilespmem:s17], [sflag:$0x2], $0x8000, s16, s15, $0x38;
	[tilespmem:$0x13500] =	vst v63  }
0x222: {  	_ =	swait.ge [sflag:s18], $0x8000  }
0x223: {  	[sflag:s18] =	ssyncset.done $0x0  }
0x224: {  	[sflag:s18] =	ssyncadd.s32 $0xFFFF8000  }
0x225: {  	_ =	sfence.sel $0x180000  }
0x226: {  	[bflag:$0x0] =	sbarrier.arrive $0xFFFF  }
0x227: {  	p0 =	sne.s32 s2, $0x0;
	_ =	strace $0x90000047  }
0x228: {  	s0 =	sadd.s32 @!p0 $0x100000, s0;
	[bflag:$0x2] =	sbarrier.arrive $0xFFFF  }
0x229: {  	[sflag:s0] =	ssyncadd.tile.s32 @!p0 $0x1;
	_ =	shalt  }
.Lfunc_end2:
_tile_overlayer_lowered:
.L_overlay_start_2:
0x22a: {  	(tag) =	ssettag $0x2  }
0x22b: {  	s0 =	rddreg [dreg:$0x0];
	s2 =	stileid.u32  }
0x22c: {  	s1 =	rddreg [dreg:$0x1];
	p0 =	sne.s32 s2, $0x0  }
0x22d: {  	s3 =	rddreg [dreg:$0x2];
	[bflag:$0x3] =	sbarrier.arrive $0xFFFF;
	s2 =	simm.s32 @!p0 $0x1C02  }
0x22e: {  	[timem:s3], [sflag:s2] =	dma.local @!p0 [hbm:s0], s1  }
0x22f: {  	s0 =	simm.s32 @!p0 $0x2  }
0x230: {  	_ =	swait.ge @!p0 [sflag:s0], s1  }
0x231: {  	s1 =	ssub.s32 @!p0 $0x0, s1;
	[sflag:s0] =	ssyncset.done @!p0 $0x0  }
0x232: {  	[sflag:s0] =	ssyncadd.s32 @!p0 s1  }
0x233: {  	[bflag:$0x3] =	sbarrier.arrive $0xFFFF  }
0x234: {  	_ =	shalt  }

</sc_bundles>
